<compile_context>
chip_gen: v7x
topology: tpu7x:2x2x1
jax: 0.10.2.dev20260603
libtpu: 0.0.44.dev20260713+nightly
codegen_flags: <defaults>
</compile_context>

<pallas_src>
import functools

import dataclasses

import jax
import jax.numpy as jnp
from jax import lax
from jax.experimental import pallas as pl
from jax.experimental.pallas import tpu as pltpu
from jax.experimental.pallas import tpu_sc as plsc

_N1 = 10000
_N2 = 5000
_D = 128
_NC = 2
_NS = 16
_NW = _NC * _NS
_L = 16

_NBLK = 88
_BLK = 128
_CB = 8
_NCHUNK = _NBLK // _CB
_CEDGE = _CB * _BLK
_EPT = _NBLK * _BLK
_ETOT = _NW * _EPT

_ZONE1 = 10240
_TROWS = 16384
_DEGC = _TROWS // _NS
_ACCP = 10240
_ACCC = _ACCP // _NS


def _sc_compiler_params():
    cp = pltpu.CompilerParams()
    if "needs_layout_passes" in pltpu.CompilerParams.__dataclass_fields__:
        cp = dataclasses.replace(cp, needs_layout_passes=False)
    return cp



def _tc1_body(y_ref, wu_ref, sx_ref, wb_ref, t_ref):
    t_ref[0:_N1, :] = jnp.dot(y_ref[...], wu_ref[...],
                              preferred_element_type=jnp.float32)
    t_ref[_N1:_ZONE1, :] = jnp.zeros((_ZONE1 - _N1, _D), jnp.float32)
    t_ref[_ZONE1:_ZONE1 + _N2, :] = jnp.dot(sx_ref[...], wb_ref[...],
                                            preferred_element_type=jnp.float32)
    t_ref[_ZONE1 + _N2:_TROWS, :] = jnp.zeros((_TROWS - _ZONE1 - _N2, _D),
                                              jnp.float32)


def _tc2_body(degp_ref, dis2_ref):
    degsum = degp_ref[0, :] + degp_ref[1, :]
    idx = lax.broadcasted_iota(jnp.int32, (_TROWS,), 0)
    dis2_ref[...] = jnp.where(idx < _ZONE1,
                              lax.rsqrt(jnp.maximum(degsum, 1e-30)),
                              jnp.float32(1.0))


def _tc3_body(accp_ref, x_ref):
    x_ref[...] = accp_ref[0, 0:_N1, :] + accp_ref[1, 0:_N1, :]



def _sc_deg(sidx3, w3, zdeg):
    mesh = plsc.VectorSubcoreMesh(core_axis_name="c", subcore_axis_name="s")

    @functools.partial(
        pl.kernel,
        out_type=jax.ShapeDtypeStruct((_NC * _TROWS,), jnp.float32),
        mesh=mesh,
        scratch_types=[
            pltpu.VMEM((_NBLK, _BLK), jnp.int32),
            pltpu.VMEM((_NBLK, _BLK), jnp.float32),
            pltpu.VMEM_SHARED((_TROWS,), jnp.float32),
        ],
    )
    def k(sidx_hbm, w_hbm, z_hbm, out_hbm, idx_v, w_v, acc_sh):
        c = lax.axis_index("c")
        s = lax.axis_index("s")
        wid = c * _NS + s
        pltpu.sync_copy(sidx_hbm.at[wid], idx_v)
        pltpu.sync_copy(w_hbm.at[wid], w_v)
        pltpu.sync_copy(z_hbm.at[pl.ds(s * _DEGC, _DEGC)],
                        acc_sh.at[pl.ds(s * _DEGC, _DEGC)])
        plsc.subcore_barrier()

        @pl.loop(0, _NBLK)
        def _(j):
            pltpu.sync_copy(w_v.at[j], acc_sh.at[idx_v.at[j]], add=True)

        plsc.subcore_barrier()
        pltpu.sync_copy(acc_sh.at[pl.ds(s * _DEGC, _DEGC)],
                        out_hbm.at[pl.ds(c * _TROWS + s * _DEGC, _DEGC)])

    return k(sidx3, w3, zdeg)


def _sc_feat(src4, dst4, sidx4, w4, t_hbm_arr, dis2_arr, zfeat):
    mesh = plsc.VectorSubcoreMesh(core_axis_name="c", subcore_axis_name="s")

    @functools.partial(
        pl.kernel,
        out_type=jax.ShapeDtypeStruct((_NC, _ACCP, _D), jnp.float32),
        mesh=mesh,
        scratch_types=[
            pltpu.VMEM((1, _CEDGE), jnp.int32),
            pltpu.VMEM((_CB, _BLK), jnp.int32),
            pltpu.VMEM((1, _CEDGE), jnp.int32),
            pltpu.VMEM((1, _CEDGE), jnp.float32),
            pltpu.VMEM((_TROWS,), jnp.float32),
            pltpu.VMEM((_BLK, _D), jnp.float32),
            pltpu.VMEM_SHARED((_ACCP, _D), jnp.float32),
        ],
        compiler_params=_sc_compiler_params(),
    )
    def k(src_hbm, dst_hbm, sidx_hbm, w_hbm, t_hbm, dis2_hbm, z_hbm, out_hbm,
          src_v, dst_v, sidx_v, w_v, dis2_v, gbuf, acc_sh):
        c = lax.axis_index("c")
        s = lax.axis_index("s")
        wid = c * _NS + s
        pltpu.sync_copy(dis2_hbm, dis2_v)
        pltpu.sync_copy(z_hbm.at[pl.ds(s * _ACCC, _ACCC)],
                        acc_sh.at[pl.ds(s * _ACCC, _ACCC)])
        plsc.subcore_barrier()

        zero16 = jnp.zeros((_L,), jnp.int32)

        @pl.loop(0, _NCHUNK)
        def _(ch):
            pltpu.sync_copy(src_hbm.at[wid, ch], src_v)
            pltpu.sync_copy(dst_hbm.at[wid, ch], dst_v)
            pltpu.sync_copy(sidx_hbm.at[wid, ch], sidx_v)
            pltpu.sync_copy(w_hbm.at[wid, ch], w_v)

            @pl.loop(0, _CEDGE, step=_L)
            def _(i):
                sl = (0, pl.ds(i, _L))
                a = plsc.load_gather(dis2_v, [sidx_v[sl]])
                b = plsc.load_gather(dis2_v, [src_v[sl]])
                w_v[sl] = w_v[sl] * a * b

            @pl.loop(0, _CB)
            def _(j):
                pltpu.sync_copy(
                    t_hbm.at[src_v.at[0, pl.ds(j * _BLK, _BLK)]], gbuf)

                @pl.loop(0, _BLK)
                def _(e):
                    cvec = plsc.load_gather(
                        w_v,
                        [zero16, jnp.full((_L,), j * _BLK + e, jnp.int32)])
                    for k8 in range(_D // _L):
                        sl = (e, pl.ds(k8 * _L, _L))
                        gbuf[sl] = gbuf[sl] * cvec

                pltpu.sync_copy(gbuf, acc_sh.at[dst_v.at[j]], add=True)

        plsc.subcore_barrier()
        pltpu.sync_copy(acc_sh.at[pl.ds(s * _ACCC, _ACCC)],
                        out_hbm.at[c, pl.ds(s * _ACCC, _ACCC)])

    return k(src4, dst4, sidx4, w4, t_hbm_arr, dis2_arr, zfeat)



def kernel(sup_x, y, edge_index, edge_weight, assign_index, assign_weight,
           W_bi, W_uni):
    E = edge_index.shape[1]
    A = assign_index.shape[1]
    row = edge_index[0]
    col = edge_index[1]
    asrc = assign_index[0]
    adst = assign_index[1]
    npad = _ETOT - (E + A + _N1)
    nid = jnp.arange(_N1, dtype=jnp.int32)
    padv = (jnp.arange(npad, dtype=jnp.int32) * 97) % _N1

    src_all = jnp.concatenate([row, asrc + _ZONE1, nid, padv])
    dst_all = jnp.concatenate([col, adst, nid, padv])
    sidx_all = jnp.concatenate(
        [col, _ZONE1 + (jnp.arange(A, dtype=jnp.int32) % (_TROWS - _ZONE1)),
         nid, padv])
    w_all = jnp.concatenate(
        [edge_weight, assign_weight, jnp.full((_N1,), 2.0, jnp.float32),
         jnp.zeros((npad,), jnp.float32)])

    sidx3 = sidx_all.reshape(_NW, _NBLK, _BLK)
    w3 = w_all.reshape(_NW, _NBLK, _BLK)
    dst4 = dst_all.reshape(_NW, _NCHUNK, _CB, _BLK)
    src4 = src_all.reshape(_NW, _NCHUNK, 1, _CEDGE)
    sidx4 = sidx_all.reshape(_NW, _NCHUNK, 1, _CEDGE)
    w4 = w_all.reshape(_NW, _NCHUNK, 1, _CEDGE)

    zdeg = jnp.zeros((_TROWS,), jnp.float32)
    zfeat = jnp.zeros((_ACCP, _D), jnp.float32)

    t_arr = pl.pallas_call(
        _tc1_body,
        out_shape=jax.ShapeDtypeStruct((_TROWS, _D), jnp.float32),
    )(y, W_uni, sup_x, W_bi)

    degp = _sc_deg(sidx3, w3, zdeg).reshape(_NC, _TROWS)

    dis2 = pl.pallas_call(
        _tc2_body,
        out_shape=jax.ShapeDtypeStruct((_TROWS,), jnp.float32),
    )(degp)

    accp = _sc_feat(src4, dst4, sidx4, w4, t_arr, dis2, zfeat)

    x = pl.pallas_call(
        _tc3_body,
        out_shape=jax.ShapeDtypeStruct((_N1, _D), jnp.float32),
    )(accp)

    return (x, edge_index, edge_weight)

# --- scband reference (transcript-rebuilt; emitter-appended) ---
"""Pipeline reference for scband-trans-un-pool-55362128445544 (READ-ONLY COPY).

The authoritative reference and input builder live on the scoring server;
editing this copy changes nothing except your own understanding.
"""

import jax, jax.numpy as jnp
import numpy as np

N1 = 10000   # fine graph nodes
N2 = 5000    # super (coarse) graph nodes
E = 320000   # fine graph edges
A = 20000    # assignment (bipartite) edges
D_IN = 128
D_OUT = 128


def setup_inputs(seed: int = 0) -> dict:
    key = jax.random.key(seed)
    ks = jax.random.split(key, 8)
    sup_x = jax.random.normal(ks[0], (N2, D_IN), dtype=jnp.float32)
    y = jax.random.normal(ks[1], (N1, D_IN), dtype=jnp.float32)
    edge_index = jax.random.randint(ks[2], (2, E), 0, N1, dtype=jnp.int32)
    edge_weight = jax.random.uniform(ks[3], (E,), dtype=jnp.float32)
    assign_index = jax.random.randint(ks[4], (2, A), 0, N2, dtype=jnp.int32)
    assign_weight = jax.random.uniform(ks[5], (A,), dtype=jnp.float32)
    # learned params: GraphConv.lin_rel (lin_root unused since x_dst=None) and GCNConv.lin, both bias=False
    W_bi = jax.random.normal(ks[6], (D_IN, D_OUT), dtype=jnp.float32) * 0.05
    W_uni = jax.random.normal(ks[7], (D_IN, D_OUT), dtype=jnp.float32) * 0.05
    return {
        "sup_x": sup_x,
        "y": y,
        "edge_index": edge_index,
        "edge_weight": edge_weight,
        "assign_index": assign_index,
        "assign_weight": assign_weight,
        "W_bi": W_bi,
        "W_uni": W_uni,
    }


def _biconv(sup_x, assign_index, assign_weight, W_bi, num_nodes1):
    # PyG GraphConv with bipartite input (sup_x, None), aggr='add', bias=False:
    # out = lin_rel( sum_{j->i} w_ji * sup_x[j] ); root term skipped since x_dst is None
    src = assign_index[0]
    dst = assign_index[1]
    msg = sup_x[src] * assign_weight[:, None]
    agg = jax.ops.segment_sum(msg, dst, num_segments=num_nodes1)
    return agg @ W_bi


def _gcnconv(y, edge_index, edge_weight, W_uni, num_nodes):
    # PyG GCNConv(improved=True, bias=False): gcn_norm with self-loop fill value 2.0
    row = edge_index[0]
    col = edge_index[1]
    loop = jnp.arange(num_nodes, dtype=row.dtype)
    full_row = jnp.concatenate([row, loop])
    full_col = jnp.concatenate([col, loop])
    full_w = jnp.concatenate([edge_weight, jnp.full((num_nodes,), 2.0, dtype=jnp.float32)])
    deg = jax.ops.segment_sum(full_w, full_col, num_segments=num_nodes)
    deg_safe = jnp.where(deg > 0, deg, 1.0)
    dis = jnp.where(deg > 0, jax.lax.rsqrt(deg_safe), 0.0)
    norm = dis[full_row] * full_w * dis[full_col]
    y_lin = y @ W_uni
    out = jax.ops.segment_sum(norm[:, None] * y_lin[full_row], full_col, num_segments=num_nodes)
    return out


def reference(sup_x, y, edge_index, edge_weight, assign_index, assign_weight, W_bi, W_uni):
    num_nodes1 = y.shape[0]
    x = _biconv(sup_x, assign_index, assign_weight, W_bi, num_nodes1)
    x = x + _gcnconv(y, edge_index, edge_weight, W_uni, num_nodes1)
    return (x, edge_index, edge_weight)

if __name__ == "__main__":
    import jax
    _d = setup_inputs()
    print(jax.jit(kernel)(*tuple(_d.values())))

</pallas_src>

<mosaic_0001>
#map = affine_map<(d0, d1) -> (0, 0, 0, 0)>
#map1 = affine_map<(d0, d1) -> (0, 0)>
#map2 = affine_map<(d0, d1) -> (0)>
#map3 = affine_map<(d0, d1) -> (0, 0, 0)>
module attributes {stable_mosaic.version = 14 : i64} {
  func.func @k(%arg0: i32, %arg1: i32, %arg2: memref<32x11x1x1024xi32, #tpu.memory_space<hbm>>, %arg3: memref<32x11x8x128xi32, #tpu.memory_space<hbm>>, %arg4: memref<32x11x1x1024xi32, #tpu.memory_space<hbm>>, %arg5: memref<32x11x1x1024xf32, #tpu.memory_space<hbm>>, %arg6: memref<16384x128xf32, #tpu.memory_space<hbm>>, %arg7: memref<16384xf32, #tpu.memory_space<hbm>>, %arg8: memref<10240x128xf32, #tpu.memory_space<hbm>>, %arg9: memref<2x10240x128xf32, #tpu.memory_space<hbm>>, %arg10: memref<1x1024xi32, #tpu.memory_space<vmem>>, %arg11: memref<8x128xi32, #tpu.memory_space<vmem>>, %arg12: memref<1x1024xi32, #tpu.memory_space<vmem>>, %arg13: memref<1x1024xf32, #tpu.memory_space<vmem>>, %arg14: memref<16384xf32, #tpu.memory_space<vmem>>, %arg15: memref<128x128xf32, #tpu.memory_space<vmem>>, %arg16: memref<10240x128xf32, #tpu.memory_space<vmem_shared>>) attributes {dimension_semantics = [#tpu.dimension_semantics<core_parallel>, #tpu.dimension_semantics<subcore_parallel>], iteration_bounds = array<i64: 2, 16>, scalar_prefetch = 0 : i64, scratch_operands = 7 : i64, tpu.core_type = #tpu.core_type<sc_vector_subcore>, window_params = [{transform_indices = #map}, {transform_indices = #map}, {transform_indices = #map}, {transform_indices = #map}, {transform_indices = #map1}, {transform_indices = #map2}, {transform_indices = #map1}, {transform_indices = #map3}]} {
    %mul3A = arith.constant 16 : i32
    %mul3A_0 = arith.muli %arg0, %mul3A : i32
    %add3A = arith.addi %mul3A_0, %arg1 : i32
    "tpu.region"() ({
      %run_scoped3A = tpu.sem_alloc : memref<!tpu.dma_semaphore, #tpu.memory_space<semaphore_mem>>
      tpu.enqueue_dma source(%arg7 : memref<16384xf32, #tpu.memory_space<hbm>>) target(%arg14 : memref<16384xf32, #tpu.memory_space<vmem>>) target_semaphore(%run_scoped3A : memref<!tpu.dma_semaphore, #tpu.memory_space<semaphore_mem>>)
      tpu.wait_dma2 semaphore(%run_scoped3A : memref<!tpu.dma_semaphore, #tpu.memory_space<semaphore_mem>>) src(%arg7 : memref<16384xf32, #tpu.memory_space<hbm>>) dst(%arg14 : memref<16384xf32, #tpu.memory_space<vmem>>)
      tpu.yield
    }) : () -> ()
    %mul3A_1 = arith.constant 640 : i32
    %mul3A_2 = arith.muli %arg1, %mul3A_1 : i32
    %mul3A_3 = arith.constant 640 : i32
    %mul3A_4 = arith.muli %arg1, %mul3A_3 : i32
    "tpu.region"() ({
      %run_scoped3A = tpu.sem_alloc : memref<!tpu.dma_semaphore, #tpu.memory_space<semaphore_mem>>
      %dma_start3A = arith.constant 0 : i32
      %dma_start3A_15 = tpu.memref_slice %arg16[%mul3A_4, %dma_start3A] : memref<10240x128xf32, #tpu.memory_space<vmem_shared>> -> memref<640x128xf32, #tpu.memory_space<vmem_shared>>
      %dma_start3A_16 = arith.constant 0 : i32
      %dma_start3A_17 = tpu.memref_slice %arg8[%mul3A_2, %dma_start3A_16] : memref<10240x128xf32, #tpu.memory_space<hbm>> -> memref<640x128xf32, #tpu.memory_space<hbm>>
      tpu.enqueue_dma source(%dma_start3A_17 : memref<640x128xf32, #tpu.memory_space<hbm>>) target(%dma_start3A_15 : memref<640x128xf32, #tpu.memory_space<vmem_shared>>) target_semaphore(%run_scoped3A : memref<!tpu.dma_semaphore, #tpu.memory_space<semaphore_mem>>)
      %dma_wait3A = arith.constant 0 : i32
      %dma_wait3A_18 = tpu.memref_slice %arg16[%mul3A_4, %dma_wait3A] : memref<10240x128xf32, #tpu.memory_space<vmem_shared>> -> memref<640x128xf32, #tpu.memory_space<vmem_shared>>
      %dma_wait3A_19 = arith.constant 0 : i32
      %dma_wait3A_20 = tpu.memref_slice %arg8[%mul3A_2, %dma_wait3A_19] : memref<10240x128xf32, #tpu.memory_space<hbm>> -> memref<640x128xf32, #tpu.memory_space<hbm>>
      tpu.wait_dma2 semaphore(%run_scoped3A : memref<!tpu.dma_semaphore, #tpu.memory_space<semaphore_mem>>) src(%dma_wait3A_20 : memref<640x128xf32, #tpu.memory_space<hbm>>) dst(%dma_wait3A_18 : memref<640x128xf32, #tpu.memory_space<vmem_shared>>)
      tpu.yield
    }) : () -> ()
    %barrier3A = arith.constant 0 : index
    tpu.barrier barrier_id(%barrier3A)
    %broadcast_in_dim3A = arith.constant 0 : i32
    %broadcast_in_dim3A_5 = vector.broadcast %broadcast_in_dim3A : i32 to vector<16xi32>
    %scan3A = arith.constant 0 : i32
    %scan3A_6 = arith.constant 11 : i32
    %scan3A_7 = arith.addi %scan3A, %scan3A_6 : i32
    %scan3A_8 = arith.constant 1 : i32
    scf.for %scan3A_15 = %scan3A to %scan3A_7 step %scan3A_8  : i32 {
      %mul3A_16 = arith.constant 1 : i32
      %mul3A_17 = arith.muli %scan3A_15, %mul3A_16 : i32
      %add3A_18 = arith.constant 0 : i32
      %add3A_19 = arith.addi %add3A_18, %mul3A_17 : i32
      "tpu.region"() ({
        %run_scoped3A = tpu.sem_alloc : memref<!tpu.dma_semaphore, #tpu.memory_space<semaphore_mem>>
        %dma_start3A = arith.constant 0 : i32
        %dma_start3A_30 = arith.constant 0 : i32
        %dma_start3A_31 = tpu.memref_slice %arg2[%add3A, %add3A_19, %dma_start3A, %dma_start3A_30] : memref<32x11x1x1024xi32, #tpu.memory_space<hbm>> -> memref<1x1x1x1024xi32, #tpu.memory_space<hbm>>
        %dma_start3A_32 = tpu.memref_squeeze %dma_start3A_31 : memref<1x1x1x1024xi32, #tpu.memory_space<hbm>> -> memref<1x1024xi32, #tpu.memory_space<hbm>>
        %dma_start3A_33 = arith.constant 0 : i32
        %dma_start3A_34 = arith.constant 0 : i32
        %dma_start3A_35 = tpu.memref_slice %arg2[%add3A, %add3A_19, %dma_start3A_33, %dma_start3A_34] : memref<32x11x1x1024xi32, #tpu.memory_space<hbm>> -> memref<1x1x1x1024xi32, #tpu.memory_space<hbm>>
        %dma_start3A_36 = tpu.memref_squeeze %dma_start3A_35 : memref<1x1x1x1024xi32, #tpu.memory_space<hbm>> -> memref<1x1024xi32, #tpu.memory_space<hbm>>
        tpu.enqueue_dma source(%dma_start3A_36 : memref<1x1024xi32, #tpu.memory_space<hbm>>) target(%arg10 : memref<1x1024xi32, #tpu.memory_space<vmem>>) target_semaphore(%run_scoped3A : memref<!tpu.dma_semaphore, #tpu.memory_space<semaphore_mem>>)
        %dma_wait3A = arith.constant 0 : i32
        %dma_wait3A_37 = arith.constant 0 : i32
        %dma_wait3A_38 = tpu.memref_slice %arg2[%add3A, %add3A_19, %dma_wait3A, %dma_wait3A_37] : memref<32x11x1x1024xi32, #tpu.memory_space<hbm>> -> memref<1x1x1x1024xi32, #tpu.memory_space<hbm>>
        %dma_wait3A_39 = tpu.memref_squeeze %dma_wait3A_38 : memref<1x1x1x1024xi32, #tpu.memory_space<hbm>> -> memref<1x1024xi32, #tpu.memory_space<hbm>>
        %dma_wait3A_40 = arith.constant 0 : i32
        %dma_wait3A_41 = arith.constant 0 : i32
        %dma_wait3A_42 = tpu.memref_slice %arg2[%add3A, %add3A_19, %dma_wait3A_40, %dma_wait3A_41] : memref<32x11x1x1024xi32, #tpu.memory_space<hbm>> -> memref<1x1x1x1024xi32, #tpu.memory_space<hbm>>
        %dma_wait3A_43 = tpu.memref_squeeze %dma_wait3A_42 : memref<1x1x1x1024xi32, #tpu.memory_space<hbm>> -> memref<1x1024xi32, #tpu.memory_space<hbm>>
        tpu.wait_dma2 semaphore(%run_scoped3A : memref<!tpu.dma_semaphore, #tpu.memory_space<semaphore_mem>>) src(%dma_wait3A_43 : memref<1x1024xi32, #tpu.memory_space<hbm>>) dst(%arg10 : memref<1x1024xi32, #tpu.memory_space<vmem>>)
        tpu.yield
      }) : () -> ()
      "tpu.region"() ({
        %run_scoped3A = tpu.sem_alloc : memref<!tpu.dma_semaphore, #tpu.memory_space<semaphore_mem>>
        %dma_start3A = arith.constant 0 : i32
        %dma_start3A_30 = arith.constant 0 : i32
        %dma_start3A_31 = tpu.memref_slice %arg3[%add3A, %add3A_19, %dma_start3A, %dma_start3A_30] : memref<32x11x8x128xi32, #tpu.memory_space<hbm>> -> memref<1x1x8x128xi32, #tpu.memory_space<hbm>>
        %dma_start3A_32 = tpu.memref_squeeze %dma_start3A_31 : memref<1x1x8x128xi32, #tpu.memory_space<hbm>> -> memref<8x128xi32, #tpu.memory_space<hbm>>
        %dma_start3A_33 = arith.constant 0 : i32
        %dma_start3A_34 = arith.constant 0 : i32
        %dma_start3A_35 = tpu.memref_slice %arg3[%add3A, %add3A_19, %dma_start3A_33, %dma_start3A_34] : memref<32x11x8x128xi32, #tpu.memory_space<hbm>> -> memref<1x1x8x128xi32, #tpu.memory_space<hbm>>
        %dma_start3A_36 = tpu.memref_squeeze %dma_start3A_35 : memref<1x1x8x128xi32, #tpu.memory_space<hbm>> -> memref<8x128xi32, #tpu.memory_space<hbm>>
        tpu.enqueue_dma source(%dma_start3A_36 : memref<8x128xi32, #tpu.memory_space<hbm>>) target(%arg11 : memref<8x128xi32, #tpu.memory_space<vmem>>) target_semaphore(%run_scoped3A : memref<!tpu.dma_semaphore, #tpu.memory_space<semaphore_mem>>)
        %dma_wait3A = arith.constant 0 : i32
        %dma_wait3A_37 = arith.constant 0 : i32
        %dma_wait3A_38 = tpu.memref_slice %arg3[%add3A, %add3A_19, %dma_wait3A, %dma_wait3A_37] : memref<32x11x8x128xi32, #tpu.memory_space<hbm>> -> memref<1x1x8x128xi32, #tpu.memory_space<hbm>>
        %dma_wait3A_39 = tpu.memref_squeeze %dma_wait3A_38 : memref<1x1x8x128xi32, #tpu.memory_space<hbm>> -> memref<8x128xi32, #tpu.memory_space<hbm>>
        %dma_wait3A_40 = arith.constant 0 : i32
        %dma_wait3A_41 = arith.constant 0 : i32
        %dma_wait3A_42 = tpu.memref_slice %arg3[%add3A, %add3A_19, %dma_wait3A_40, %dma_wait3A_41] : memref<32x11x8x128xi32, #tpu.memory_space<hbm>> -> memref<1x1x8x128xi32, #tpu.memory_space<hbm>>
        %dma_wait3A_43 = tpu.memref_squeeze %dma_wait3A_42 : memref<1x1x8x128xi32, #tpu.memory_space<hbm>> -> memref<8x128xi32, #tpu.memory_space<hbm>>
        tpu.wait_dma2 semaphore(%run_scoped3A : memref<!tpu.dma_semaphore, #tpu.memory_space<semaphore_mem>>) src(%dma_wait3A_43 : memref<8x128xi32, #tpu.memory_space<hbm>>) dst(%arg11 : memref<8x128xi32, #tpu.memory_space<vmem>>)
        tpu.yield
      }) : () -> ()
      "tpu.region"() ({
        %run_scoped3A = tpu.sem_alloc : memref<!tpu.dma_semaphore, #tpu.memory_space<semaphore_mem>>
        %dma_start3A = arith.constant 0 : i32
        %dma_start3A_30 = arith.constant 0 : i32
        %dma_start3A_31 = tpu.memref_slice %arg4[%add3A, %add3A_19, %dma_start3A, %dma_start3A_30] : memref<32x11x1x1024xi32, #tpu.memory_space<hbm>> -> memref<1x1x1x1024xi32, #tpu.memory_space<hbm>>
        %dma_start3A_32 = tpu.memref_squeeze %dma_start3A_31 : memref<1x1x1x1024xi32, #tpu.memory_space<hbm>> -> memref<1x1024xi32, #tpu.memory_space<hbm>>
        %dma_start3A_33 = arith.constant 0 : i32
        %dma_start3A_34 = arith.constant 0 : i32
        %dma_start3A_35 = tpu.memref_slice %arg4[%add3A, %add3A_19, %dma_start3A_33, %dma_start3A_34] : memref<32x11x1x1024xi32, #tpu.memory_space<hbm>> -> memref<1x1x1x1024xi32, #tpu.memory_space<hbm>>
        %dma_start3A_36 = tpu.memref_squeeze %dma_start3A_35 : memref<1x1x1x1024xi32, #tpu.memory_space<hbm>> -> memref<1x1024xi32, #tpu.memory_space<hbm>>
        tpu.enqueue_dma source(%dma_start3A_36 : memref<1x1024xi32, #tpu.memory_space<hbm>>) target(%arg12 : memref<1x1024xi32, #tpu.memory_space<vmem>>) target_semaphore(%run_scoped3A : memref<!tpu.dma_semaphore, #tpu.memory_space<semaphore_mem>>)
        %dma_wait3A = arith.constant 0 : i32
        %dma_wait3A_37 = arith.constant 0 : i32
        %dma_wait3A_38 = tpu.memref_slice %arg4[%add3A, %add3A_19, %dma_wait3A, %dma_wait3A_37] : memref<32x11x1x1024xi32, #tpu.memory_space<hbm>> -> memref<1x1x1x1024xi32, #tpu.memory_space<hbm>>
        %dma_wait3A_39 = tpu.memref_squeeze %dma_wait3A_38 : memref<1x1x1x1024xi32, #tpu.memory_space<hbm>> -> memref<1x1024xi32, #tpu.memory_space<hbm>>
        %dma_wait3A_40 = arith.constant 0 : i32
        %dma_wait3A_41 = arith.constant 0 : i32
        %dma_wait3A_42 = tpu.memref_slice %arg4[%add3A, %add3A_19, %dma_wait3A_40, %dma_wait3A_41] : memref<32x11x1x1024xi32, #tpu.memory_space<hbm>> -> memref<1x1x1x1024xi32, #tpu.memory_space<hbm>>
        %dma_wait3A_43 = tpu.memref_squeeze %dma_wait3A_42 : memref<1x1x1x1024xi32, #tpu.memory_space<hbm>> -> memref<1x1024xi32, #tpu.memory_space<hbm>>
        tpu.wait_dma2 semaphore(%run_scoped3A : memref<!tpu.dma_semaphore, #tpu.memory_space<semaphore_mem>>) src(%dma_wait3A_43 : memref<1x1024xi32, #tpu.memory_space<hbm>>) dst(%arg12 : memref<1x1024xi32, #tpu.memory_space<vmem>>)
        tpu.yield
      }) : () -> ()
      "tpu.region"() ({
        %run_scoped3A = tpu.sem_alloc : memref<!tpu.dma_semaphore, #tpu.memory_space<semaphore_mem>>
        %dma_start3A = arith.constant 0 : i32
        %dma_start3A_30 = arith.constant 0 : i32
        %dma_start3A_31 = tpu.memref_slice %arg5[%add3A, %add3A_19, %dma_start3A, %dma_start3A_30] : memref<32x11x1x1024xf32, #tpu.memory_space<hbm>> -> memref<1x1x1x1024xf32, #tpu.memory_space<hbm>>
        %dma_start3A_32 = tpu.memref_squeeze %dma_start3A_31 : memref<1x1x1x1024xf32, #tpu.memory_space<hbm>> -> memref<1x1024xf32, #tpu.memory_space<hbm>>
        %dma_start3A_33 = arith.constant 0 : i32
        %dma_start3A_34 = arith.constant 0 : i32
        %dma_start3A_35 = tpu.memref_slice %arg5[%add3A, %add3A_19, %dma_start3A_33, %dma_start3A_34] : memref<32x11x1x1024xf32, #tpu.memory_space<hbm>> -> memref<1x1x1x1024xf32, #tpu.memory_space<hbm>>
        %dma_start3A_36 = tpu.memref_squeeze %dma_start3A_35 : memref<1x1x1x1024xf32, #tpu.memory_space<hbm>> -> memref<1x1024xf32, #tpu.memory_space<hbm>>
        tpu.enqueue_dma source(%dma_start3A_36 : memref<1x1024xf32, #tpu.memory_space<hbm>>) target(%arg13 : memref<1x1024xf32, #tpu.memory_space<vmem>>) target_semaphore(%run_scoped3A : memref<!tpu.dma_semaphore, #tpu.memory_space<semaphore_mem>>)
        %dma_wait3A = arith.constant 0 : i32
        %dma_wait3A_37 = arith.constant 0 : i32
        %dma_wait3A_38 = tpu.memref_slice %arg5[%add3A, %add3A_19, %dma_wait3A, %dma_wait3A_37] : memref<32x11x1x1024xf32, #tpu.memory_space<hbm>> -> memref<1x1x1x1024xf32, #tpu.memory_space<hbm>>
        %dma_wait3A_39 = tpu.memref_squeeze %dma_wait3A_38 : memref<1x1x1x1024xf32, #tpu.memory_space<hbm>> -> memref<1x1024xf32, #tpu.memory_space<hbm>>
        %dma_wait3A_40 = arith.constant 0 : i32
        %dma_wait3A_41 = arith.constant 0 : i32
        %dma_wait3A_42 = tpu.memref_slice %arg5[%add3A, %add3A_19, %dma_wait3A_40, %dma_wait3A_41] : memref<32x11x1x1024xf32, #tpu.memory_space<hbm>> -> memref<1x1x1x1024xf32, #tpu.memory_space<hbm>>
        %dma_wait3A_43 = tpu.memref_squeeze %dma_wait3A_42 : memref<1x1x1x1024xf32, #tpu.memory_space<hbm>> -> memref<1x1024xf32, #tpu.memory_space<hbm>>
        tpu.wait_dma2 semaphore(%run_scoped3A : memref<!tpu.dma_semaphore, #tpu.memory_space<semaphore_mem>>) src(%dma_wait3A_43 : memref<1x1024xf32, #tpu.memory_space<hbm>>) dst(%arg13 : memref<1x1024xf32, #tpu.memory_space<vmem>>)
        tpu.yield
      }) : () -> ()
      %scan3A_20 = arith.constant 0 : i32
      %scan3A_21 = arith.constant 64 : i32
      %scan3A_22 = arith.addi %scan3A_20, %scan3A_21 : i32
      %scan3A_23 = arith.constant 1 : i32
      scf.for %scan3A_30 = %scan3A_20 to %scan3A_22 step %scan3A_23  : i32 {
        %mul3A_31 = arith.constant 16 : i32
        %mul3A_32 = arith.muli %scan3A_30, %mul3A_31 : i32
        %add3A_33 = arith.constant 0 : i32
        %add3A_34 = arith.addi %add3A_33, %mul3A_32 : i32
        %get3A = arith.constant 0 : i32
        %get3A_35 = arith.index_cast %get3A : i32 to index
        %get3A_36 = arith.index_cast %add3A_34 : i32 to index
        %get3A_37 = tpu.vector_load %arg12[%get3A_35, %get3A_36] {strides = array<i32>} : memref<1x1024xi32, #tpu.memory_space<vmem>>, vector<16xi32>,
        %gather3A = tpu.vector_load_idx %arg14[%get3A_37] : memref<16384xf32, #tpu.memory_space<vmem>>[vector<16xi32>], vector<16xf32>,
        %get3A_38 = arith.constant 0 : i32
        %get3A_39 = arith.index_cast %get3A_38 : i32 to index
        %get3A_40 = arith.index_cast %add3A_34 : i32 to index
        %get3A_41 = tpu.vector_load %arg10[%get3A_39, %get3A_40] {strides = array<i32>} : memref<1x1024xi32, #tpu.memory_space<vmem>>, vector<16xi32>,
        %gather3A_42 = tpu.vector_load_idx %arg14[%get3A_41] : memref<16384xf32, #tpu.memory_space<vmem>>[vector<16xi32>], vector<16xf32>,
        %get3A_43 = arith.constant 0 : i32
        %get3A_44 = arith.index_cast %get3A_43 : i32 to index
        %get3A_45 = arith.index_cast %add3A_34 : i32 to index
        %get3A_46 = tpu.vector_load %arg13[%get3A_44, %get3A_45] {strides = array<i32>} : memref<1x1024xf32, #tpu.memory_space<vmem>>, vector<16xf32>,
        %mul3A_47 = arith.mulf %get3A_46, %gather3A : vector<16xf32>
        %mul3A_48 = arith.mulf %mul3A_47, %gather3A_42 : vector<16xf32>
        %swap3A = arith.constant 0 : i32
        %swap3A_49 = arith.index_cast %swap3A : i32 to index
        %swap3A_50 = arith.index_cast %add3A_34 : i32 to index
        %swap3A_51 = tpu.vector_load %arg13[%swap3A_49, %swap3A_50] {strides = array<i32>} : memref<1x1024xf32, #tpu.memory_space<vmem>>, vector<16xf32>,
        tpu.vector_store %arg13[%swap3A_49, %swap3A_50], %mul3A_48 {strides = array<i32>} : memref<1x1024xf32, #tpu.memory_space<vmem>>, vector<16xf32>,
      }
      %scan3A_24 = arith.constant 64 : i32
      %scan3A_25 = arith.constant 0 : i32
      %scan3A_26 = arith.constant 8 : i32
      %scan3A_27 = arith.addi %scan3A_25, %scan3A_26 : i32
      %scan3A_28 = arith.constant 1 : i32
      scf.for %scan3A_30 = %scan3A_25 to %scan3A_27 step %scan3A_28  : i32 {
        %mul3A_31 = arith.constant 1 : i32
        %mul3A_32 = arith.muli %scan3A_30, %mul3A_31 : i32
        %add3A_33 = arith.constant 0 : i32
        %add3A_34 = arith.addi %add3A_33, %mul3A_32 : i32
        %mul3A_35 = arith.constant 128 : i32
        %mul3A_36 = arith.muli %add3A_34, %mul3A_35 : i32
        %run_scoped3A = arith.constant 0 : i32
        "tpu.region"() ({
          %run_scoped3A_42 = tpu.sem_alloc : memref<!tpu.dma_semaphore, #tpu.memory_space<semaphore_mem>>
          %dma_start3A = tpu.memref_slice %arg10[%run_scoped3A, %mul3A_36] : memref<1x1024xi32, #tpu.memory_space<vmem>> -> memref<1x128xi32, #tpu.memory_space<vmem>>
          %dma_start3A_43 = tpu.memref_squeeze %dma_start3A : memref<1x128xi32, #tpu.memory_space<vmem>> -> memref<128xi32, #tpu.memory_space<vmem>>
          %dma_start3A_44 = arith.constant 0 : i32
          %dma_start3A_45 = arith.constant 0 : i32
          %dma_start3A_46 = tpu.memref_slice %arg6[%dma_start3A_44, %dma_start3A_45] : memref<16384x128xf32, #tpu.memory_space<hbm>> -> memref<16384x128xf32, #tpu.memory_space<hbm>>
          tpu.enqueue_indirect_dma source(%dma_start3A_46 : memref<16384x128xf32, #tpu.memory_space<hbm>>) target(%arg15 : memref<128x128xf32, #tpu.memory_space<vmem>>) offsets(%dma_start3A_43 : memref<128xi32, #tpu.memory_space<vmem>>) semaphore(%run_scoped3A_42 : memref<!tpu.dma_semaphore, #tpu.memory_space<semaphore_mem>>)
          %dma_wait3A = tpu.memref_slice %arg10[%run_scoped3A, %mul3A_36] : memref<1x1024xi32, #tpu.memory_space<vmem>> -> memref<1x128xi32, #tpu.memory_space<vmem>>
          %dma_wait3A_47 = tpu.memref_squeeze %dma_wait3A : memref<1x128xi32, #tpu.memory_space<vmem>> -> memref<128xi32, #tpu.memory_space<vmem>>
          %dma_wait3A_48 = arith.constant 0 : i32
          %dma_wait3A_49 = arith.constant 0 : i32
          %dma_wait3A_50 = tpu.memref_slice %arg6[%dma_wait3A_48, %dma_wait3A_49] : memref<16384x128xf32, #tpu.memory_space<hbm>> -> memref<16384x128xf32, #tpu.memory_space<hbm>>
          tpu.wait_indirect_dma semaphore(%run_scoped3A_42 : memref<!tpu.dma_semaphore, #tpu.memory_space<semaphore_mem>>) src(%dma_wait3A_50 : memref<16384x128xf32, #tpu.memory_space<hbm>>) dst(%arg15 : memref<128x128xf32, #tpu.memory_space<vmem>>)
          tpu.yield
        }) : () -> ()
        %scan3A_37 = arith.constant 0 : i32
        %scan3A_38 = arith.constant 128 : i32
        %scan3A_39 = arith.addi %scan3A_37, %scan3A_38 : i32
        %scan3A_40 = arith.constant 1 : i32
        scf.for %scan3A_42 = %scan3A_37 to %scan3A_39 step %scan3A_40  : i32 {
          %mul3A_43 = arith.constant 1 : i32
          %mul3A_44 = arith.muli %scan3A_42, %mul3A_43 : i32
          %add3A_45 = arith.constant 0 : i32
          %add3A_46 = arith.addi %add3A_45, %mul3A_44 : i32
          %mul3A_47 = arith.constant 128 : i32
          %mul3A_48 = arith.muli %add3A_34, %mul3A_47 : i32
          %add3A_49 = arith.addi %mul3A_48, %add3A_46 : i32
          %broadcast_in_dim3A_50 = vector.broadcast %add3A_49 : i32 to vector<16xi32>
          %gather3A = tpu.vector_load_idx %arg13[%broadcast_in_dim3A_5, %broadcast_in_dim3A_50] : memref<1x1024xf32, #tpu.memory_space<vmem>>[vector<16xi32>, vector<16xi32>], vector<16xf32>,
          %get3A = arith.index_cast %add3A_46 : i32 to index
          %get3A_51 = arith.constant 0 : index
          %get3A_52 = tpu.vector_load %arg15[%get3A, %get3A_51] {strides = array<i32>} : memref<128x128xf32, #tpu.memory_space<vmem>>, vector<16xf32>,
          %mul3A_53 = arith.mulf %get3A_52, %gather3A : vector<16xf32>
          %swap3A = arith.index_cast %add3A_46 : i32 to index
          %swap3A_54 = arith.constant 0 : index
          %swap3A_55 = tpu.vector_load %arg15[%swap3A, %swap3A_54] {strides = array<i32>} : memref<128x128xf32, #tpu.memory_space<vmem>>, vector<16xf32>,
          tpu.vector_store %arg15[%swap3A, %swap3A_54], %mul3A_53 {strides = array<i32>} : memref<128x128xf32, #tpu.memory_space<vmem>>, vector<16xf32>,
          %get3A_56 = arith.index_cast %add3A_46 : i32 to index
          %get3A_57 = arith.constant 16 : index
          %get3A_58 = tpu.vector_load %arg15[%get3A_56, %get3A_57] {strides = array<i32>} : memref<128x128xf32, #tpu.memory_space<vmem>>, vector<16xf32>,
          %mul3A_59 = arith.mulf %get3A_58, %gather3A : vector<16xf32>
          %swap3A_60 = arith.index_cast %add3A_46 : i32 to index
          %swap3A_61 = arith.constant 16 : index
          %swap3A_62 = tpu.vector_load %arg15[%swap3A_60, %swap3A_61] {strides = array<i32>} : memref<128x128xf32, #tpu.memory_space<vmem>>, vector<16xf32>,
          tpu.vector_store %arg15[%swap3A_60, %swap3A_61], %mul3A_59 {strides = array<i32>} : memref<128x128xf32, #tpu.memory_space<vmem>>, vector<16xf32>,
          %get3A_63 = arith.index_cast %add3A_46 : i32 to index
          %get3A_64 = arith.constant 32 : index
          %get3A_65 = tpu.vector_load %arg15[%get3A_63, %get3A_64] {strides = array<i32>} : memref<128x128xf32, #tpu.memory_space<vmem>>, vector<16xf32>,
          %mul3A_66 = arith.mulf %get3A_65, %gather3A : vector<16xf32>
          %swap3A_67 = arith.index_cast %add3A_46 : i32 to index
          %swap3A_68 = arith.constant 32 : index
          %swap3A_69 = tpu.vector_load %arg15[%swap3A_67, %swap3A_68] {strides = array<i32>} : memref<128x128xf32, #tpu.memory_space<vmem>>, vector<16xf32>,
          tpu.vector_store %arg15[%swap3A_67, %swap3A_68], %mul3A_66 {strides = array<i32>} : memref<128x128xf32, #tpu.memory_space<vmem>>, vector<16xf32>,
          %get3A_70 = arith.index_cast %add3A_46 : i32 to index
          %get3A_71 = arith.constant 48 : index
          %get3A_72 = tpu.vector_load %arg15[%get3A_70, %get3A_71] {strides = array<i32>} : memref<128x128xf32, #tpu.memory_space<vmem>>, vector<16xf32>,
          %mul3A_73 = arith.mulf %get3A_72, %gather3A : vector<16xf32>
          %swap3A_74 = arith.index_cast %add3A_46 : i32 to index
          %swap3A_75 = arith.constant 48 : index
          %swap3A_76 = tpu.vector_load %arg15[%swap3A_74, %swap3A_75] {strides = array<i32>} : memref<128x128xf32, #tpu.memory_space<vmem>>, vector<16xf32>,
          tpu.vector_store %arg15[%swap3A_74, %swap3A_75], %mul3A_73 {strides = array<i32>} : memref<128x128xf32, #tpu.memory_space<vmem>>, vector<16xf32>,
          %get3A_77 = arith.index_cast %add3A_46 : i32 to index
          %get3A_78 = arith.constant 64 : index
          %get3A_79 = tpu.vector_load %arg15[%get3A_77, %get3A_78] {strides = array<i32>} : memref<128x128xf32, #tpu.memory_space<vmem>>, vector<16xf32>,
          %mul3A_80 = arith.mulf %get3A_79, %gather3A : vector<16xf32>
          %swap3A_81 = arith.index_cast %add3A_46 : i32 to index
          %swap3A_82 = arith.constant 64 : index
          %swap3A_83 = tpu.vector_load %arg15[%swap3A_81, %swap3A_82] {strides = array<i32>} : memref<128x128xf32, #tpu.memory_space<vmem>>, vector<16xf32>,
          tpu.vector_store %arg15[%swap3A_81, %swap3A_82], %mul3A_80 {strides = array<i32>} : memref<128x128xf32, #tpu.memory_space<vmem>>, vector<16xf32>,
          %get3A_84 = arith.index_cast %add3A_46 : i32 to index
          %get3A_85 = arith.constant 80 : index
          %get3A_86 = tpu.vector_load %arg15[%get3A_84, %get3A_85] {strides = array<i32>} : memref<128x128xf32, #tpu.memory_space<vmem>>, vector<16xf32>,
          %mul3A_87 = arith.mulf %get3A_86, %gather3A : vector<16xf32>
          %swap3A_88 = arith.index_cast %add3A_46 : i32 to index
          %swap3A_89 = arith.constant 80 : index
          %swap3A_90 = tpu.vector_load %arg15[%swap3A_88, %swap3A_89] {strides = array<i32>} : memref<128x128xf32, #tpu.memory_space<vmem>>, vector<16xf32>,
          tpu.vector_store %arg15[%swap3A_88, %swap3A_89], %mul3A_87 {strides = array<i32>} : memref<128x128xf32, #tpu.memory_space<vmem>>, vector<16xf32>,
          %get3A_91 = arith.index_cast %add3A_46 : i32 to index
          %get3A_92 = arith.constant 96 : index
          %get3A_93 = tpu.vector_load %arg15[%get3A_91, %get3A_92] {strides = array<i32>} : memref<128x128xf32, #tpu.memory_space<vmem>>, vector<16xf32>,
          %mul3A_94 = arith.mulf %get3A_93, %gather3A : vector<16xf32>
          %swap3A_95 = arith.index_cast %add3A_46 : i32 to index
          %swap3A_96 = arith.constant 96 : index
          %swap3A_97 = tpu.vector_load %arg15[%swap3A_95, %swap3A_96] {strides = array<i32>} : memref<128x128xf32, #tpu.memory_space<vmem>>, vector<16xf32>,
          tpu.vector_store %arg15[%swap3A_95, %swap3A_96], %mul3A_94 {strides = array<i32>} : memref<128x128xf32, #tpu.memory_space<vmem>>, vector<16xf32>,
          %get3A_98 = arith.index_cast %add3A_46 : i32 to index
          %get3A_99 = arith.constant 112 : index
          %get3A_100 = tpu.vector_load %arg15[%get3A_98, %get3A_99] {strides = array<i32>} : memref<128x128xf32, #tpu.memory_space<vmem>>, vector<16xf32>,
          %mul3A_101 = arith.mulf %get3A_100, %gather3A : vector<16xf32>
          %swap3A_102 = arith.index_cast %add3A_46 : i32 to index
          %swap3A_103 = arith.constant 112 : index
          %swap3A_104 = tpu.vector_load %arg15[%swap3A_102, %swap3A_103] {strides = array<i32>} : memref<128x128xf32, #tpu.memory_space<vmem>>, vector<16xf32>,
          tpu.vector_store %arg15[%swap3A_102, %swap3A_103], %mul3A_101 {strides = array<i32>} : memref<128x128xf32, #tpu.memory_space<vmem>>, vector<16xf32>,
        }
        %scan3A_41 = arith.constant 128 : i32
        "tpu.region"() ({
          %run_scoped3A_42 = tpu.sem_alloc : memref<!tpu.dma_semaphore, #tpu.memory_space<semaphore_mem>>
          %dma_start3A = arith.constant 0 : i32
          %dma_start3A_43 = tpu.memref_slice %arg11[%add3A_34, %dma_start3A] : memref<8x128xi32, #tpu.memory_space<vmem>> -> memref<1x128xi32, #tpu.memory_space<vmem>>
          %dma_start3A_44 = tpu.memref_squeeze %dma_start3A_43 : memref<1x128xi32, #tpu.memory_space<vmem>> -> memref<128xi32, #tpu.memory_space<vmem>>
          %dma_start3A_45 = arith.constant 0 : i32
          %dma_start3A_46 = arith.constant 0 : i32
          %dma_start3A_47 = tpu.memref_slice %arg16[%dma_start3A_45, %dma_start3A_46] : memref<10240x128xf32, #tpu.memory_space<vmem_shared>> -> memref<10240x128xf32, #tpu.memory_space<vmem_shared>>
          tpu.enqueue_indirect_dma source(%arg15 : memref<128x128xf32, #tpu.memory_space<vmem>>) target(%dma_start3A_47 : memref<10240x128xf32, #tpu.memory_space<vmem_shared>>) offsets(%dma_start3A_44 : memref<128xi32, #tpu.memory_space<vmem>>) semaphore(%run_scoped3A_42 : memref<!tpu.dma_semaphore, #tpu.memory_space<semaphore_mem>>) {add = true}
          %dma_wait3A = arith.constant 0 : i32
          %dma_wait3A_48 = tpu.memref_slice %arg11[%add3A_34, %dma_wait3A] : memref<8x128xi32, #tpu.memory_space<vmem>> -> memref<1x128xi32, #tpu.memory_space<vmem>>
          %dma_wait3A_49 = tpu.memref_squeeze %dma_wait3A_48 : memref<1x128xi32, #tpu.memory_space<vmem>> -> memref<128xi32, #tpu.memory_space<vmem>>
          %dma_wait3A_50 = arith.constant 0 : i32
          %dma_wait3A_51 = arith.constant 0 : i32
          %dma_wait3A_52 = tpu.memref_slice %arg16[%dma_wait3A_50, %dma_wait3A_51] : memref<10240x128xf32, #tpu.memory_space<vmem_shared>> -> memref<10240x128xf32, #tpu.memory_space<vmem_shared>>
          tpu.wait_indirect_dma semaphore(%run_scoped3A_42 : memref<!tpu.dma_semaphore, #tpu.memory_space<semaphore_mem>>) src(%arg15 : memref<128x128xf32, #tpu.memory_space<vmem>>) dst(%dma_wait3A_52 : memref<10240x128xf32, #tpu.memory_space<vmem_shared>>)
          tpu.yield
        }) : () -> ()
      }
      %scan3A_29 = arith.constant 8 : i32
    }
    %scan3A_9 = arith.constant 11 : i32
    %barrier3A_10 = arith.constant 0 : index
    tpu.barrier barrier_id(%barrier3A_10)
    %mul3A_11 = arith.constant 640 : i32
    %mul3A_12 = arith.muli %arg1, %mul3A_11 : i32
    %mul3A_13 = arith.constant 640 : i32
    %mul3A_14 = arith.muli %arg1, %mul3A_13 : i32
    "tpu.region"() ({
      %run_scoped3A = tpu.sem_alloc : memref<!tpu.dma_semaphore, #tpu.memory_space<semaphore_mem>>
      %dma_start3A = arith.constant 0 : i32
      %dma_start3A_15 = tpu.memref_slice %arg9[%arg0, %mul3A_14, %dma_start3A] : memref<2x10240x128xf32, #tpu.memory_space<hbm>> -> memref<1x640x128xf32, #tpu.memory_space<hbm>>
      %dma_start3A_16 = tpu.memref_squeeze %dma_start3A_15 : memref<1x640x128xf32, #tpu.memory_space<hbm>> -> memref<640x128xf32, #tpu.memory_space<hbm>>
      %dma_start3A_17 = arith.constant 0 : i32
      %dma_start3A_18 = tpu.memref_slice %arg16[%mul3A_12, %dma_start3A_17] : memref<10240x128xf32, #tpu.memory_space<vmem_shared>> -> memref<640x128xf32, #tpu.memory_space<vmem_shared>>
      tpu.enqueue_dma source(%dma_start3A_18 : memref<640x128xf32, #tpu.memory_space<vmem_shared>>) target(%dma_start3A_16 : memref<640x128xf32, #tpu.memory_space<hbm>>) target_semaphore(%run_scoped3A : memref<!tpu.dma_semaphore, #tpu.memory_space<semaphore_mem>>)
      %dma_wait3A = arith.constant 0 : i32
      %dma_wait3A_19 = tpu.memref_slice %arg9[%arg0, %mul3A_14, %dma_wait3A] : memref<2x10240x128xf32, #tpu.memory_space<hbm>> -> memref<1x640x128xf32, #tpu.memory_space<hbm>>
      %dma_wait3A_20 = tpu.memref_squeeze %dma_wait3A_19 : memref<1x640x128xf32, #tpu.memory_space<hbm>> -> memref<640x128xf32, #tpu.memory_space<hbm>>
      %dma_wait3A_21 = arith.constant 0 : i32
      %dma_wait3A_22 = tpu.memref_slice %arg16[%mul3A_12, %dma_wait3A_21] : memref<10240x128xf32, #tpu.memory_space<vmem_shared>> -> memref<640x128xf32, #tpu.memory_space<vmem_shared>>
      tpu.wait_dma2 semaphore(%run_scoped3A : memref<!tpu.dma_semaphore, #tpu.memory_space<semaphore_mem>>) src(%dma_wait3A_22 : memref<640x128xf32, #tpu.memory_space<vmem_shared>>) dst(%dma_wait3A_20 : memref<640x128xf32, #tpu.memory_space<hbm>>)
      tpu.yield
    }) : () -> ()
    return
  }
}

#map = affine_map<(d0, d1) -> (0, 0, 0)>
#map1 = affine_map<(d0, d1) -> (0)>
module attributes {stable_mosaic.version = 14 : i64} {
  func.func @k(%arg0: i32, %arg1: i32, %arg2: memref<32x88x128xi32, #tpu.memory_space<hbm>>, %arg3: memref<32x88x128xf32, #tpu.memory_space<hbm>>, %arg4: memref<16384xf32, #tpu.memory_space<hbm>>, %arg5: memref<32768xf32, #tpu.memory_space<hbm>>, %arg6: memref<88x128xi32, #tpu.memory_space<vmem>>, %arg7: memref<88x128xf32, #tpu.memory_space<vmem>>, %arg8: memref<16384xf32, #tpu.memory_space<vmem_shared>>) attributes {dimension_semantics = [#tpu.dimension_semantics<core_parallel>, #tpu.dimension_semantics<subcore_parallel>], iteration_bounds = array<i64: 2, 16>, scalar_prefetch = 0 : i64, scratch_operands = 3 : i64, tpu.core_type = #tpu.core_type<sc_vector_subcore>, window_params = [{transform_indices = #map}, {transform_indices = #map}, {transform_indices = #map1}, {transform_indices = #map1}]} {
    %mul3A = arith.constant 16 : i32
    %mul3A_0 = arith.muli %arg0, %mul3A : i32
    %add3A = arith.addi %mul3A_0, %arg1 : i32
    "tpu.region"() ({
      %run_scoped3A = tpu.sem_alloc : memref<!tpu.dma_semaphore, #tpu.memory_space<semaphore_mem>>
      %dma_start3A = arith.constant 0 : i32
      %dma_start3A_17 = arith.constant 0 : i32
      %dma_start3A_18 = tpu.memref_slice %arg2[%add3A, %dma_start3A, %dma_start3A_17] : memref<32x88x128xi32, #tpu.memory_space<hbm>> -> memref<1x88x128xi32, #tpu.memory_space<hbm>>
      %dma_start3A_19 = tpu.memref_squeeze %dma_start3A_18 : memref<1x88x128xi32, #tpu.memory_space<hbm>> -> memref<88x128xi32, #tpu.memory_space<hbm>>
      %dma_start3A_20 = arith.constant 0 : i32
      %dma_start3A_21 = arith.constant 0 : i32
      %dma_start3A_22 = tpu.memref_slice %arg2[%add3A, %dma_start3A_20, %dma_start3A_21] : memref<32x88x128xi32, #tpu.memory_space<hbm>> -> memref<1x88x128xi32, #tpu.memory_space<hbm>>
      %dma_start3A_23 = tpu.memref_squeeze %dma_start3A_22 : memref<1x88x128xi32, #tpu.memory_space<hbm>> -> memref<88x128xi32, #tpu.memory_space<hbm>>
      tpu.enqueue_dma source(%dma_start3A_23 : memref<88x128xi32, #tpu.memory_space<hbm>>) target(%arg6 : memref<88x128xi32, #tpu.memory_space<vmem>>) target_semaphore(%run_scoped3A : memref<!tpu.dma_semaphore, #tpu.memory_space<semaphore_mem>>)
      %dma_wait3A = arith.constant 0 : i32
      %dma_wait3A_24 = arith.constant 0 : i32
      %dma_wait3A_25 = tpu.memref_slice %arg2[%add3A, %dma_wait3A, %dma_wait3A_24] : memref<32x88x128xi32, #tpu.memory_space<hbm>> -> memref<1x88x128xi32, #tpu.memory_space<hbm>>
      %dma_wait3A_26 = tpu.memref_squeeze %dma_wait3A_25 : memref<1x88x128xi32, #tpu.memory_space<hbm>> -> memref<88x128xi32, #tpu.memory_space<hbm>>
      %dma_wait3A_27 = arith.constant 0 : i32
      %dma_wait3A_28 = arith.constant 0 : i32
      %dma_wait3A_29 = tpu.memref_slice %arg2[%add3A, %dma_wait3A_27, %dma_wait3A_28] : memref<32x88x128xi32, #tpu.memory_space<hbm>> -> memref<1x88x128xi32, #tpu.memory_space<hbm>>
      %dma_wait3A_30 = tpu.memref_squeeze %dma_wait3A_29 : memref<1x88x128xi32, #tpu.memory_space<hbm>> -> memref<88x128xi32, #tpu.memory_space<hbm>>
      tpu.wait_dma2 semaphore(%run_scoped3A : memref<!tpu.dma_semaphore, #tpu.memory_space<semaphore_mem>>) src(%dma_wait3A_30 : memref<88x128xi32, #tpu.memory_space<hbm>>) dst(%arg6 : memref<88x128xi32, #tpu.memory_space<vmem>>)
      tpu.yield
    }) : () -> ()
    "tpu.region"() ({
      %run_scoped3A = tpu.sem_alloc : memref<!tpu.dma_semaphore, #tpu.memory_space<semaphore_mem>>
      %dma_start3A = arith.constant 0 : i32
      %dma_start3A_17 = arith.constant 0 : i32
      %dma_start3A_18 = tpu.memref_slice %arg3[%add3A, %dma_start3A, %dma_start3A_17] : memref<32x88x128xf32, #tpu.memory_space<hbm>> -> memref<1x88x128xf32, #tpu.memory_space<hbm>>
      %dma_start3A_19 = tpu.memref_squeeze %dma_start3A_18 : memref<1x88x128xf32, #tpu.memory_space<hbm>> -> memref<88x128xf32, #tpu.memory_space<hbm>>
      %dma_start3A_20 = arith.constant 0 : i32
      %dma_start3A_21 = arith.constant 0 : i32
      %dma_start3A_22 = tpu.memref_slice %arg3[%add3A, %dma_start3A_20, %dma_start3A_21] : memref<32x88x128xf32, #tpu.memory_space<hbm>> -> memref<1x88x128xf32, #tpu.memory_space<hbm>>
      %dma_start3A_23 = tpu.memref_squeeze %dma_start3A_22 : memref<1x88x128xf32, #tpu.memory_space<hbm>> -> memref<88x128xf32, #tpu.memory_space<hbm>>
      tpu.enqueue_dma source(%dma_start3A_23 : memref<88x128xf32, #tpu.memory_space<hbm>>) target(%arg7 : memref<88x128xf32, #tpu.memory_space<vmem>>) target_semaphore(%run_scoped3A : memref<!tpu.dma_semaphore, #tpu.memory_space<semaphore_mem>>)
      %dma_wait3A = arith.constant 0 : i32
      %dma_wait3A_24 = arith.constant 0 : i32
      %dma_wait3A_25 = tpu.memref_slice %arg3[%add3A, %dma_wait3A, %dma_wait3A_24] : memref<32x88x128xf32, #tpu.memory_space<hbm>> -> memref<1x88x128xf32, #tpu.memory_space<hbm>>
      %dma_wait3A_26 = tpu.memref_squeeze %dma_wait3A_25 : memref<1x88x128xf32, #tpu.memory_space<hbm>> -> memref<88x128xf32, #tpu.memory_space<hbm>>
      %dma_wait3A_27 = arith.constant 0 : i32
      %dma_wait3A_28 = arith.constant 0 : i32
      %dma_wait3A_29 = tpu.memref_slice %arg3[%add3A, %dma_wait3A_27, %dma_wait3A_28] : memref<32x88x128xf32, #tpu.memory_space<hbm>> -> memref<1x88x128xf32, #tpu.memory_space<hbm>>
      %dma_wait3A_30 = tpu.memref_squeeze %dma_wait3A_29 : memref<1x88x128xf32, #tpu.memory_space<hbm>> -> memref<88x128xf32, #tpu.memory_space<hbm>>
      tpu.wait_dma2 semaphore(%run_scoped3A : memref<!tpu.dma_semaphore, #tpu.memory_space<semaphore_mem>>) src(%dma_wait3A_30 : memref<88x128xf32, #tpu.memory_space<hbm>>) dst(%arg7 : memref<88x128xf32, #tpu.memory_space<vmem>>)
      tpu.yield
    }) : () -> ()
    %mul3A_1 = arith.constant 1024 : i32
    %mul3A_2 = arith.muli %arg1, %mul3A_1 : i32
    %mul3A_3 = arith.constant 1024 : i32
    %mul3A_4 = arith.muli %arg1, %mul3A_3 : i32
    "tpu.region"() ({
      %run_scoped3A = tpu.sem_alloc : memref<!tpu.dma_semaphore, #tpu.memory_space<semaphore_mem>>
      %dma_start3A = tpu.memref_slice %arg8[%mul3A_4] : memref<16384xf32, #tpu.memory_space<vmem_shared>> -> memref<1024xf32, #tpu.memory_space<vmem_shared>>
      %dma_start3A_17 = tpu.memref_slice %arg4[%mul3A_2] : memref<16384xf32, #tpu.memory_space<hbm>> -> memref<1024xf32, #tpu.memory_space<hbm>>
      tpu.enqueue_dma source(%dma_start3A_17 : memref<1024xf32, #tpu.memory_space<hbm>>) target(%dma_start3A : memref<1024xf32, #tpu.memory_space<vmem_shared>>) target_semaphore(%run_scoped3A : memref<!tpu.dma_semaphore, #tpu.memory_space<semaphore_mem>>)
      %dma_wait3A = tpu.memref_slice %arg8[%mul3A_4] : memref<16384xf32, #tpu.memory_space<vmem_shared>> -> memref<1024xf32, #tpu.memory_space<vmem_shared>>
      %dma_wait3A_18 = tpu.memref_slice %arg4[%mul3A_2] : memref<16384xf32, #tpu.memory_space<hbm>> -> memref<1024xf32, #tpu.memory_space<hbm>>
      tpu.wait_dma2 semaphore(%run_scoped3A : memref<!tpu.dma_semaphore, #tpu.memory_space<semaphore_mem>>) src(%dma_wait3A_18 : memref<1024xf32, #tpu.memory_space<hbm>>) dst(%dma_wait3A : memref<1024xf32, #tpu.memory_space<vmem_shared>>)
      tpu.yield
    }) : () -> ()
    %barrier3A = arith.constant 0 : index
    tpu.barrier barrier_id(%barrier3A)
    %scan3A = arith.constant 0 : i32
    %scan3A_5 = arith.constant 88 : i32
    %scan3A_6 = arith.addi %scan3A, %scan3A_5 : i32
    %scan3A_7 = arith.constant 1 : i32
    scf.for %scan3A_17 = %scan3A to %scan3A_6 step %scan3A_7  : i32 {
      %mul3A_18 = arith.constant 1 : i32
      %mul3A_19 = arith.muli %scan3A_17, %mul3A_18 : i32
      %add3A_20 = arith.constant 0 : i32
      %add3A_21 = arith.addi %add3A_20, %mul3A_19 : i32
      "tpu.region"() ({
        %run_scoped3A = tpu.sem_alloc : memref<!tpu.dma_semaphore, #tpu.memory_space<semaphore_mem>>
        %dma_start3A = arith.constant 0 : i32
        %dma_start3A_22 = tpu.memref_slice %arg7[%add3A_21, %dma_start3A] : memref<88x128xf32, #tpu.memory_space<vmem>> -> memref<1x128xf32, #tpu.memory_space<vmem>>
        %dma_start3A_23 = tpu.memref_squeeze %dma_start3A_22 : memref<1x128xf32, #tpu.memory_space<vmem>> -> memref<128xf32, #tpu.memory_space<vmem>>
        %dma_start3A_24 = arith.constant 0 : i32
        %dma_start3A_25 = tpu.memref_slice %arg6[%add3A_21, %dma_start3A_24] : memref<88x128xi32, #tpu.memory_space<vmem>> -> memref<1x128xi32, #tpu.memory_space<vmem>>
        %dma_start3A_26 = tpu.memref_squeeze %dma_start3A_25 : memref<1x128xi32, #tpu.memory_space<vmem>> -> memref<128xi32, #tpu.memory_space<vmem>>
        %dma_start3A_27 = arith.constant 0 : i32
        %dma_start3A_28 = tpu.memref_slice %arg8[%dma_start3A_27] : memref<16384xf32, #tpu.memory_space<vmem_shared>> -> memref<16384xf32, #tpu.memory_space<vmem_shared>>
        tpu.enqueue_indirect_dma source(%dma_start3A_23 : memref<128xf32, #tpu.memory_space<vmem>>) target(%dma_start3A_28 : memref<16384xf32, #tpu.memory_space<vmem_shared>>) offsets(%dma_start3A_26 : memref<128xi32, #tpu.memory_space<vmem>>) semaphore(%run_scoped3A : memref<!tpu.dma_semaphore, #tpu.memory_space<semaphore_mem>>) {add = true}
        %dma_wait3A = arith.constant 0 : i32
        %dma_wait3A_29 = tpu.memref_slice %arg7[%add3A_21, %dma_wait3A] : memref<88x128xf32, #tpu.memory_space<vmem>> -> memref<1x128xf32, #tpu.memory_space<vmem>>
        %dma_wait3A_30 = tpu.memref_squeeze %dma_wait3A_29 : memref<1x128xf32, #tpu.memory_space<vmem>> -> memref<128xf32, #tpu.memory_space<vmem>>
        %dma_wait3A_31 = arith.constant 0 : i32
        %dma_wait3A_32 = tpu.memref_slice %arg6[%add3A_21, %dma_wait3A_31] : memref<88x128xi32, #tpu.memory_space<vmem>> -> memref<1x128xi32, #tpu.memory_space<vmem>>
        %dma_wait3A_33 = tpu.memref_squeeze %dma_wait3A_32 : memref<1x128xi32, #tpu.memory_space<vmem>> -> memref<128xi32, #tpu.memory_space<vmem>>
        %dma_wait3A_34 = arith.constant 0 : i32
        %dma_wait3A_35 = tpu.memref_slice %arg8[%dma_wait3A_34] : memref<16384xf32, #tpu.memory_space<vmem_shared>> -> memref<16384xf32, #tpu.memory_space<vmem_shared>>
        tpu.wait_indirect_dma semaphore(%run_scoped3A : memref<!tpu.dma_semaphore, #tpu.memory_space<semaphore_mem>>) src(%dma_wait3A_30 : memref<128xf32, #tpu.memory_space<vmem>>) dst(%dma_wait3A_35 : memref<16384xf32, #tpu.memory_space<vmem_shared>>)
        tpu.yield
      }) : () -> ()
    }
    %scan3A_8 = arith.constant 88 : i32
    %barrier3A_9 = arith.constant 0 : index
    tpu.barrier barrier_id(%barrier3A_9)
    %mul3A_10 = arith.constant 1024 : i32
    %mul3A_11 = arith.muli %arg1, %mul3A_10 : i32
    %mul3A_12 = arith.constant 16384 : i32
    %mul3A_13 = arith.muli %arg0, %mul3A_12 : i32
    %mul3A_14 = arith.constant 1024 : i32
    %mul3A_15 = arith.muli %arg1, %mul3A_14 : i32
    %add3A_16 = arith.addi %mul3A_13, %mul3A_15 : i32
    "tpu.region"() ({
      %run_scoped3A = tpu.sem_alloc : memref<!tpu.dma_semaphore, #tpu.memory_space<semaphore_mem>>
      %dma_start3A = tpu.memref_slice %arg5[%add3A_16] : memref<32768xf32, #tpu.memory_space<hbm>> -> memref<1024xf32, #tpu.memory_space<hbm>>
      %dma_start3A_17 = tpu.memref_slice %arg8[%mul3A_11] : memref<16384xf32, #tpu.memory_space<vmem_shared>> -> memref<1024xf32, #tpu.memory_space<vmem_shared>>
      tpu.enqueue_dma source(%dma_start3A_17 : memref<1024xf32, #tpu.memory_space<vmem_shared>>) target(%dma_start3A : memref<1024xf32, #tpu.memory_space<hbm>>) target_semaphore(%run_scoped3A : memref<!tpu.dma_semaphore, #tpu.memory_space<semaphore_mem>>)
      %dma_wait3A = tpu.memref_slice %arg5[%add3A_16] : memref<32768xf32, #tpu.memory_space<hbm>> -> memref<1024xf32, #tpu.memory_space<hbm>>
      %dma_wait3A_18 = tpu.memref_slice %arg8[%mul3A_11] : memref<16384xf32, #tpu.memory_space<vmem_shared>> -> memref<1024xf32, #tpu.memory_space<vmem_shared>>
      tpu.wait_dma2 semaphore(%run_scoped3A : memref<!tpu.dma_semaphore, #tpu.memory_space<semaphore_mem>>) src(%dma_wait3A_18 : memref<1024xf32, #tpu.memory_space<vmem_shared>>) dst(%dma_wait3A : memref<1024xf32, #tpu.memory_space<hbm>>)
      tpu.yield
    }) : () -> ()
    return
  }
}

module attributes {stable_mosaic.version = 14 : i64} {
  func.func @_tc1_body(%arg0: memref<10000x128xf32, #tpu.memory_space<vmem>>, %arg1: memref<128x128xf32, #tpu.memory_space<vmem>>, %arg2: memref<5000x128xf32, #tpu.memory_space<vmem>>, %arg3: memref<128x128xf32, #tpu.memory_space<vmem>>, %arg4: memref<16384x128xf32, #tpu.memory_space<vmem>>) attributes {dimension_semantics = [], scalar_prefetch = 0 : i64, scratch_operands = 0 : i64, tpu.core_type = #tpu.core_type<tc>} {
    %get3A = arith.constant 0 : index
    %get3A_0 = arith.constant 0 : index
    %get3A_1 = vector.load %arg0[%get3A, %get3A_0] : memref<10000x128xf32, #tpu.memory_space<vmem>>, vector<10000x128xf32>
    %get3A_2 = arith.constant 0 : index
    %get3A_3 = arith.constant 0 : index
    %get3A_4 = vector.load %arg1[%get3A_2, %get3A_3] : memref<128x128xf32, #tpu.memory_space<vmem>>, vector<128x128xf32>
    %dot_general3A = arith.constant dense<0.000000e+00> : vector<10000x128xf32>
    %dot_general3A_5 = tpu.matmul %get3A_1, %get3A_4, %dot_general3A {dimension_numbers = #tpu.dot_dimension_numbers<[1], [0], [0], [1], [0, 0, 1, 1], [], []>, transpose_lhs_hint = false} : vector<10000x128xf32>, vector<128x128xf32>, vector<10000x128xf32> -> vector<10000x128xf32>
    %swap3A = arith.constant 0 : index
    %swap3A_6 = arith.constant 0 : index
    %swap3A_7 = vector.load %arg4[%swap3A, %swap3A_6] : memref<16384x128xf32, #tpu.memory_space<vmem>>, vector<10000x128xf32>
    tpu.vector_store %arg4[%swap3A, %swap3A_6], %dot_general3A_5 {strides = array<i32>} : memref<16384x128xf32, #tpu.memory_space<vmem>>, vector<10000x128xf32>,
    %broadcast_in_dim3A = arith.constant 0.000000e+00 : f32
    %broadcast_in_dim3A_8 = vector.broadcast %broadcast_in_dim3A : f32 to vector<240x128xf32>
    %swap3A_9 = arith.constant 10000 : index
    %swap3A_10 = arith.constant 0 : index
    %swap3A_11 = vector.load %arg4[%swap3A_9, %swap3A_10] : memref<16384x128xf32, #tpu.memory_space<vmem>>, vector<240x128xf32>
    tpu.vector_store %arg4[%swap3A_9, %swap3A_10], %broadcast_in_dim3A_8 {strides = array<i32>} : memref<16384x128xf32, #tpu.memory_space<vmem>>, vector<240x128xf32>,
    %get3A_12 = arith.constant 0 : index
    %get3A_13 = arith.constant 0 : index
    %get3A_14 = vector.load %arg2[%get3A_12, %get3A_13] : memref<5000x128xf32, #tpu.memory_space<vmem>>, vector<5000x128xf32>
    %get3A_15 = arith.constant 0 : index
    %get3A_16 = arith.constant 0 : index
    %get3A_17 = vector.load %arg3[%get3A_15, %get3A_16] : memref<128x128xf32, #tpu.memory_space<vmem>>, vector<128x128xf32>
    %dot_general3A_18 = arith.constant dense<0.000000e+00> : vector<5000x128xf32>
    %dot_general3A_19 = tpu.matmul %get3A_14, %get3A_17, %dot_general3A_18 {dimension_numbers = #tpu.dot_dimension_numbers<[1], [0], [0], [1], [0, 0, 1, 1], [], []>, transpose_lhs_hint = false} : vector<5000x128xf32>, vector<128x128xf32>, vector<5000x128xf32> -> vector<5000x128xf32>
    %swap3A_20 = arith.constant 10240 : index
    %swap3A_21 = arith.constant 0 : index
    %swap3A_22 = vector.load %arg4[%swap3A_20, %swap3A_21] : memref<16384x128xf32, #tpu.memory_space<vmem>>, vector<5000x128xf32>
    tpu.vector_store %arg4[%swap3A_20, %swap3A_21], %dot_general3A_19 {strides = array<i32>} : memref<16384x128xf32, #tpu.memory_space<vmem>>, vector<5000x128xf32>,
    %broadcast_in_dim3A_23 = arith.constant 0.000000e+00 : f32
    %broadcast_in_dim3A_24 = vector.broadcast %broadcast_in_dim3A_23 : f32 to vector<1144x128xf32>
    %swap3A_25 = arith.constant 15240 : index
    %swap3A_26 = arith.constant 0 : index
    %swap3A_27 = vector.load %arg4[%swap3A_25, %swap3A_26] : memref<16384x128xf32, #tpu.memory_space<vmem>>, vector<1144x128xf32>
    tpu.vector_store %arg4[%swap3A_25, %swap3A_26], %broadcast_in_dim3A_24 {strides = array<i32>} : memref<16384x128xf32, #tpu.memory_space<vmem>>, vector<1144x128xf32>,
    return
  }
}

module attributes {stable_mosaic.version = 14 : i64} {
  func.func @_tc2_body(%arg0: memref<2x16384xf32, #tpu.memory_space<vmem>>, %arg1: memref<16384xf32, #tpu.memory_space<vmem>>) attributes {dimension_semantics = [], scalar_prefetch = 0 : i64, scratch_operands = 0 : i64, tpu.core_type = #tpu.core_type<tc>} {
    %get3A = arith.constant 0 : index
    %get3A_0 = arith.constant 0 : index
    %get3A_1 = vector.load %arg0[%get3A, %get3A_0] : memref<2x16384xf32, #tpu.memory_space<vmem>>, vector<1x16384xf32>
    %get3A_2 = vector.shape_cast %get3A_1 : vector<1x16384xf32> to vector<16384xf32>
    %get3A_3 = arith.constant 1 : index
    %get3A_4 = arith.constant 0 : index
    %get3A_5 = vector.load %arg0[%get3A_3, %get3A_4] : memref<2x16384xf32, #tpu.memory_space<vmem>>, vector<1x16384xf32>
    %get3A_6 = vector.shape_cast %get3A_5 : vector<1x16384xf32> to vector<16384xf32>
    %add3A = arith.addf %get3A_2, %get3A_6 : vector<16384xf32>
    %iota3A = tpu.iota {dimensions = array<i32: 1>} : vector<1x16384xi32>
    %iota3A_7 = vector.shape_cast %iota3A : vector<1x16384xi32> to vector<16384xi32>
    %lt3A = arith.constant 10240 : i32
    %lt3A_8 = vector.broadcast %lt3A : i32 to vector<16384xi32>
    %lt3A_9 = arith.cmpi slt, %iota3A_7, %lt3A_8 : vector<16384xi32>
    %max3A = arith.constant 1.000000e-30 : f32
    %max3A_10 = vector.broadcast %max3A : f32 to vector<16384xf32>
    %max3A_11 = arith.maximumf %add3A, %max3A_10 : vector<16384xf32>
    %rsqrt3A = math.rsqrt %max3A_11 : vector<16384xf32>
    %jit3A = arith.constant 1.000000e+00 : f32
    %broadcast_in_dim3A = vector.broadcast %jit3A : f32 to vector<16384xf32>
    %select_n3A = arith.select %lt3A_9, %rsqrt3A, %broadcast_in_dim3A : vector<16384xi1>, vector<16384xf32>
    %swap3A = arith.constant 0 : index
    %swap3A_12 = vector.load %arg1[%swap3A] : memref<16384xf32, #tpu.memory_space<vmem>>, vector<16384xf32>
    tpu.vector_store %arg1[%swap3A], %select_n3A {strides = array<i32>} : memref<16384xf32, #tpu.memory_space<vmem>>, vector<16384xf32>,
    return
  }
}

module attributes {stable_mosaic.version = 14 : i64} {
  func.func @_tc3_body(%arg0: memref<2x10240x128xf32, #tpu.memory_space<vmem>>, %arg1: memref<10000x128xf32, #tpu.memory_space<vmem>>) attributes {dimension_semantics = [], scalar_prefetch = 0 : i64, scratch_operands = 0 : i64, tpu.core_type = #tpu.core_type<tc>} {
    %get3A = arith.constant 0 : index
    %get3A_0 = arith.constant 0 : index
    %get3A_1 = arith.constant 0 : index
    %get3A_2 = vector.load %arg0[%get3A, %get3A_0, %get3A_1] : memref<2x10240x128xf32, #tpu.memory_space<vmem>>, vector<1x10000x128xf32>
    %get3A_3 = vector.shape_cast %get3A_2 : vector<1x10000x128xf32> to vector<10000x128xf32>
    %get3A_4 = arith.constant 1 : index
    %get3A_5 = arith.constant 0 : index
    %get3A_6 = arith.constant 0 : index
    %get3A_7 = vector.load %arg0[%get3A_4, %get3A_5, %get3A_6] : memref<2x10240x128xf32, #tpu.memory_space<vmem>>, vector<1x10000x128xf32>
    %get3A_8 = vector.shape_cast %get3A_7 : vector<1x10000x128xf32> to vector<10000x128xf32>
    %add3A = arith.addf %get3A_3, %get3A_8 : vector<10000x128xf32>
    %swap3A = arith.constant 0 : index
    %swap3A_9 = arith.constant 0 : index
    %swap3A_10 = vector.load %arg1[%swap3A, %swap3A_9] : memref<10000x128xf32, #tpu.memory_space<vmem>>, vector<10000x128xf32>
    tpu.vector_store %arg1[%swap3A, %swap3A_9], %add3A {strides = array<i32>} : memref<10000x128xf32, #tpu.memory_space<vmem>>, vector<10000x128xf32>,
    return
  }
}

</mosaic_0001>

<sc_bundles>
// kernel: kernel.10.cloned.1.call-start
scs
__scs_entry_jumppad:
0x0: {  	(pc) =	sbr.rel $0x88, $3  }
0x1: {  	(tag) =	ssettag $0x0;
	lr =	simm.s32 $0x1  }
0x2: {  	[smem:$0x3F99] =	sst lr;
	_ =	strace $0xD0000000  }
0x3: {  	_ = 	snop  }
0x4: {  	_ = 	snop  }
0x5: {  	_ = 	snop  }
0x6: {  	_ = 	snop  }
0x7: {  	_ = 	snop  }
__scs_overlays_trampoline_lowered:
0x8: {  	[smem:$0x3FA8] =	sst s0  }
0x9: {  	[smem:$0x3FA9] =	sst s1  }
0xa: {  	[smem:$0x3FAA] =	sst s2  }
0xb: {  	[smem:$0x3FAB] =	sst s3  }
0xc: {  	[smem:$0x3FAC] =	sst s4  }
0xd: {  	[smem:$0x3FAD] =	sst s5  }
0xe: {  	[smem:$0x3FAE] =	sst s6  }
0xf: {  	[smem:$0x3FAF] =	sst s7  }
0x10: {  	[smem:$0x3FB0] =	sst s8  }
0x11: {  	[smem:$0x3FB1] =	sst s9;
	s0 =	simm.s32 @!p0 $0x0  }
0x12: {  	s1 =	sld [smem:$0x3F97];
	s0 =	simm.s32 @p0 $0x1  }
0x13: {  	[smem:$0x3FB2] =	sst s0;
	s0 =	simm.s32 @!p1 $0x0  }
0x14: {  	s2 =	sld [smem:$0x3F96];
	s0 =	simm.s32 @p1 $0x1  }
0x15: {  	[smem:$0x3FB3] =	sst s0;
	s0 =	simm.s32 @!p2 $0x0  }
0x16: {  	s3 =	sld [smem:$0x3FDB];
	s0 =	simm.s32 @p2 $0x1  }
0x17: {  	s4 =	simm.s32 $0x1BF5;
	[smem:$0x3FB5] =	sst s0  }
0x18: {  	s0 =	sld [smem:$0x3F98];
	_ =	swait.ge [sflag:s4], $0x0  }
0x19: {  	s7 =	sld [smem:$0x3F99]  }
0x1a: {  	s8 =	sadd.s32 $0xFFFFE003, lr  }
0x1b: {  	s9 =	sadd.s32 $0xFFFFFEF7, lr;
	s5 =	simm.s32 $0xFFFFFFFF;
	p2 =	slt.u32 s8, $0xFFFFF086  }
0x1c: {  	p1 =	slt.u32 s9, $0xF7A;
	s5 =	simm.s32 @!p2 $0x0  }
0x1d: {  	s5 =	simm.s32 @p1 $0x1;
	p0 =	seq.s32 s7, s2  }
0x1e: {  	s7 =	smul.u32 @!p0 $0xF7A, s2;
	p2 =	seq.s32 @!p0 s5, $0x0  }
0x1f: {  	s9 =	smul.u32 $0xF7A, s1;
	s8 =	simm.s32 @!p0 $0x1BF5;
	p2 =	por !p2, p0  }
0x20: {  	[sflag:s8] =	ssyncset.s32 @!p0 $0xFFFFF086;
	s6 =	sadd.s32 @!p0 s3, s7;
	s7 =	simm.s32 @!p0 $0x108  }
0x21: {  	s3 =	sadd.s32 s3, s9;
	s6 =	sadd.s32 @!p0 $0x88, s6;
	s7 =	simm.s32 @p2 $0x1082  }
0x22: {  	[simem:s7], [sflag:s8] =	dma.local @!p0 [hbm:s6], $0xF7A  }
0x23: {  	s9 =	sor.u32 $0xD0000000, s2;
	s6 =	simm.s32 $0x108;
	_ =	swait.ge @!p0 [sflag:s8], $0x0  }
0x24: {  	s3 =	sadd.s32 $0x88, s3;
	s6 =	simm.s32 @!p1 $0x1082;
	[sflag:s4] =	ssyncset.s32 $0xFFFFF086  }
0x25: {  	[simem:s6], [sflag:s4] =	dma.local [hbm:s3], $0xF7A  }
0x26: {  	[smem:$0x3F99] =	sst s1;
	(tag) =	ssettag s2;
	_ =	strace s9  }
0x27: {  	s1 =	sld [smem:$0x3FA9]  }
0x28: {  	s2 =	sld [smem:$0x3FAA]  }
0x29: {  	s4 =	sld [smem:$0x3FAC]  }
0x2a: {  	p0 =	seq.s32 s5, $0x0;
	s5 =	sld [smem:$0x3FAD]  }
0x2b: {  	s6 =	sld [smem:$0x3FAE]  }
0x2c: {  	s7 =	sld [smem:$0x3FAF]  }
0x2d: {  	s3 =	simm.s32 $0x108;
	s8 =	sld [smem:$0x3FB0]  }
0x2e: {  	s3 =	simm.s32 @!p0 $0x1082;
	s9 =	sld [smem:$0x3FB1]  }
0x2f: {  	lr =	sadd.s32 s0, s3;
	s0 =	sld [smem:$0x3FA8]  }
0x30: {  	s3 =	sld [smem:$0x3FAB]  }
0x31: {  	[smem:$0x3FB4] =	sst s10  }
0x32: {  	s10 =	sld [smem:$0x3FB2];
	_ =	sdelay $0x3  }
0x33: {  	p0 =	seq.s32 s10, $0x1;
	s10 =	sld [smem:$0x3FB4];
	_ =	sdelay $0x3  }
0x34: {  	[smem:$0x3FB4] =	sst s10  }
0x35: {  	s10 =	sld [smem:$0x3FB3];
	_ =	sdelay $0x3  }
0x36: {  	p1 =	seq.s32 s10, $0x1;
	s10 =	sld [smem:$0x3FB4];
	_ =	sdelay $0x3  }
0x37: {  	[smem:$0x3FB4] =	sst s10  }
0x38: {  	s10 =	sld [smem:$0x3FB5]  }
0x39: {  	_ = 	snop;
	(pc) =	sbr.ind lr, $3  }
0x3a: {  	_ = 	snop  }
0x3b: {  	_ = 	snop  }
0x3c: {  	p2 =	seq.s32 s10, $0x1;
	s10 =	sld [smem:$0x3FB4]  }
0x3d: {  	_ =	shalt  }
0x3e: {  	_ =	shalt  }
0x3f: {  	_ =	shalt  }
0x40: {  	_ =	shalt  }
0x41: {  	_ =	shalt  }
0x42: {  	_ =	shalt  }
0x43: {  	_ =	shalt  }
0x44: {  	_ =	shalt  }
0x45: {  	_ =	shalt  }
0x46: {  	_ =	shalt  }
0x47: {  	_ =	shalt  }
0x48: {  	_ =	shalt  }
0x49: {  	_ =	shalt  }
0x4a: {  	_ =	shalt  }
0x4b: {  	_ =	shalt  }
0x4c: {  	_ =	shalt  }
0x4d: {  	_ =	shalt  }
0x4e: {  	_ =	shalt  }
0x4f: {  	_ =	shalt  }
0x50: {  	_ =	shalt  }
0x51: {  	_ =	shalt  }
0x52: {  	_ =	shalt  }
0x53: {  	_ =	shalt  }
0x54: {  	_ =	shalt  }
0x55: {  	_ =	shalt  }
0x56: {  	_ =	shalt  }
0x57: {  	_ =	shalt  }
0x58: {  	_ =	shalt  }
0x59: {  	_ =	shalt  }
0x5a: {  	_ =	shalt  }
0x5b: {  	_ =	shalt  }
0x5c: {  	_ =	shalt  }
0x5d: {  	_ =	shalt  }
0x5e: {  	_ =	shalt  }
0x5f: {  	_ =	shalt  }
0x60: {  	_ =	shalt  }
0x61: {  	_ =	shalt  }
0x62: {  	_ =	shalt  }
0x63: {  	_ =	shalt  }
0x64: {  	_ =	shalt  }
0x65: {  	_ =	shalt  }
0x66: {  	_ =	shalt  }
0x67: {  	_ =	shalt  }
0x68: {  	_ =	shalt  }
0x69: {  	_ =	shalt  }
0x6a: {  	_ =	shalt  }
0x6b: {  	_ =	shalt  }
0x6c: {  	_ =	shalt  }
0x6d: {  	_ =	shalt  }
0x6e: {  	_ =	shalt  }
0x6f: {  	_ =	shalt  }
0x70: {  	_ =	shalt  }
0x71: {  	_ =	shalt  }
0x72: {  	_ =	shalt  }
0x73: {  	_ =	shalt  }
0x74: {  	_ =	shalt  }
0x75: {  	_ =	shalt  }
0x76: {  	_ =	shalt  }
0x77: {  	_ =	shalt  }
0x78: {  	_ =	shalt  }
0x79: {  	_ =	shalt  }
0x7a: {  	_ =	shalt  }
0x7b: {  	_ =	shalt  }
0x7c: {  	_ =	shalt  }
0x7d: {  	_ =	shalt  }
0x7e: {  	_ =	shalt  }
0x7f: {  	_ =	shalt  }
0x80: {  	_ =	shalt  }
0x81: {  	_ =	shalt  }
0x82: {  	_ =	shalt  }
0x83: {  	_ =	shalt  }
0x84: {  	_ =	shalt  }
0x85: {  	_ =	shalt  }
0x86: {  	_ =	shalt  }
0x87: {  	_ =	shalt  }
.Lfunc_end0:
.L_simem_size_0:
called_computation.1_lowered:
.L_overlay_start_0:
0x88: {  	s2 =	sld [smem:$0x3FD9]  }
0x89: {  	s3 =	sld [smem:$0x3FFE];
	_ =	sdelay $0x1  }
0x8a: {  	s1 =	srdreg.scid  }
0x8b: {  	s0 =	sand.u32 $0x1, s1  }
0x8c: {  	s14 =	sshll.u32 s0, $0xA;
	s2 =	sadd.s32 s3, s2  }
0x8d: {  	s2 =	sadd.s32 s2, s14  }
0x8e: {  	[smem:$0x3FC0] =	sst s2  }
0x8f: {  	_ = 	snop  }
0x90: {  	s2 =	sld [smem:$0x3FD0];
	_ =	sdelay $0x2  }
0x91: {  	s15 =	simm.s32 $0xA;
	s4 =	simm.s32 $0x10  }
0x92: {  	[smem:s4], [sflag:s15] =	dma.local [hbm:s2], $0x1  }
0x93: {  	_ =	swait.eq [sflag:s15], $0x1  }
0x94: {  	s16 =	sld [smem:$0x10];
	[sflag:s15] =	ssyncset.done $0x0  }
0x95: {  	s17 =	sld [smem:$0x11];
	[sflag:s15] =	ssyncadd.s32 $0xFFFFFFFF  }
0x96: {  	s18 =	sld [smem:$0x12];
	(tm) =	ssettm $0x1  }
0x97: {  	s5 =	sld [smem:$0x3FFB];
	_ =	sdelay $0x3  }
0x98: {  	_ =	strace s5  }
0x99: {  	s5 =	sld [smem:$0x3FFC];
	_ =	sdelay $0x3  }
0x9a: {  	_ =	strace s5  }
0x9b: {  	s5 =	sld [smem:$0x3FFD];
	_ =	sdelay $0x3  }
0x9c: {  	_ =	strace s5  }
0x9d: {  	_ =	strace $0x8FFFFFFF  }
0x9e: {  	s19 =	sld [smem:$0x3FDB];
	_ =	sdelay $0x1  }
0x9f: {  	s6 =	simm.s32 $_scs_section_size  }
0xa0: {  	s7 =	simm.s32 $_size__tile_overlayer_lowered;
	s8 =	simm.s32 $_tile_overlayer_lowered  }
0xa1: {  	s22 =	simm.s32 $0x1BFF;
	s21 =	sshll.u32 s8, $0x1;
	s5 =	sadd.s32 s6, s19  }
0xa2: {  	s9 =	simm.s32 $0x0;
	s20 =	sshll.u32 s7, $0x1;
	s7 =	sadd.s32 s21, s5  }
0xa3: {  	[timem:s9], [sflag:s22] =	dma.local [hbm:s7], s20  }
0xa4: {  	_ =	swait.ge [sflag:s22], s20  }
0xa5: {  	s6 =	ssub.s32 $0x0, s20;
	[sflag:s22] =	ssyncset.done $0x0  }
0xa6: {  	[sflag:s22] =	ssyncadd.s32 s6;
	_ =	sdelay $0x1  }
0xa7: {  	s23 =	simm.s32 $0x1B8B  }
0xa8: {  	_ =	swait.ge [sflag:s23], $0x1  }
0xa9: {  	[sflag:s23] =	ssyncset.done $0x0  }
0xaa: {  	s25 =	simm.s32 $0x1B8E;
	s24 =	sld [smem:$0x3FFE];
	[sflag:s23] =	ssyncadd.s32 $0xFFFFFFFF  }
0xab: {  	s26 =	simm.s32 $execute0_lowered;
	[smem:$0x3FD2] =	sst s25  }
0xac: {  	s7 =	sshll.u32 s26, $0x1;
	_ =	strace $0x80000049;
	[dreg:$0x1] =	wrdreg $0xFFFFFFFF  }
0xad: {  	s28 =	simm.s32 $_size_execute0_lowered;
	s5 =	sadd.s32 s5, s7;
	[dreg:$0x0] =	wrdreg $0x0  }
0xae: {  	s7 =	sshll.u32 s28, $0x1;
	[dreg:$0x2] =	wrdreg s5  }
0xaf: {  	[dreg:$0x3] =	wrdreg s7  }
0xb0: {  	[dreg:$0x4] =	wrdreg $0xC0  }
0xb1: {  	_ =	task [dreg:s9], $0x5FFFF  }
0xb2: {  	[dreg:$0x1] =	wrdreg $0xFFFFFFFF  }
0xb3: {  	[dreg:$0x0] =	wrdreg $0x60  }
0xb4: {  	[dreg:$0x2] =	wrdreg s17  }
0xb5: {  	[dreg:$0x3] =	wrdreg s16  }
0xb6: {  	[dreg:$0x4] =	wrdreg s24  }
0xb7: {  	[dreg:$0x5] =	wrdreg s18  }
0xb8: {  	[dreg:$0x6] =	wrdreg $0x90000  }
0xb9: {  	[dreg:$0x7] =	wrdreg $0x9  }
0xba: {  	_ =	task.clear_ibuf [dreg:s9], $0x8FFFF;
	_ =	strace $0x90000049  }
0xbb: {  	s29 =	simm.s32 $0x9;
	_ =	strace $0x8000004B  }
0xbc: {  	_ =	swait.ge [sflag:s29], $0x1  }
0xbd: {  	[sflag:s29] =	ssyncadd.s32 $0xFFFFFFFF  }
0xbe: {  	_ =	strace $0x9000004B  }
0xbf: {  	_ =	sfence  }
0xc0: {  	s30 =	sld [smem:$0x0];
	_ =	sdelay $0x2  }
0xc1: {  	s31 =	sshll.u32 s1, $0xD;
	s1 =	sshrl.u32 s1, $0x2  }
0xc2: {  	s3 =	sand.u32 $0x4000, s31;
	s1 =	sadd.s32 s1, s30  }
0xc3: {  	s0 =	sor.u32 s3, s0;
	s1 =	sshll.u32 s1, $0x11  }
0xc4: {  	s0 =	sor.u32 s1, s0  }
0xc5: {  	s0 =	sadd.s32 $0x8F2B, s0  }
0xc6: {  	[sflag:s0] =	ssyncadd.remote.s32 $0x1  }
0xc7: {  	_ =	sfence.sel $0xFFFF  }
0xc8: {  	[dreg:$0x0] =	wrdreg $0xFFFFFFFF;
	(pc) =	sbr.abs _section_cstart, $3  }
0xc9: {  	[dreg:$0x1] =	wrdreg $0xFFFFFFFF  }
0xca: {  	_ =	task.clear_ibuf [dreg:s9], $0x2FFFF;
	_ =	strace $0x9FFFFFFF  }
0xcb: {  	(tm) =	ssettm $0x7FFFFFFF  }
tec
execute0_lowered:
.L_overlay_start_1:
0x0: {  	(tag) =	ssettag $0x1  }
0x1: {  	s1 =	rddreg [dreg:$0x0]  }
0x2: {  	s2 =	rddreg [dreg:$0x1]  }
0x3: {  	s10 =	rddreg [dreg:$0x2]  }
0x4: {  	s4 =	rddreg [dreg:$0x3]  }
0x5: {  	s5 =	rddreg [dreg:$0x4]  }
0x6: {  	s3 =	stileid.u32;
	s7 =	srdreg.scid;
	s6 =	simm.s32 $0x0  }
0x7: {  	s18 =	simm.s32 $0x400;
	s19 =	simm.s32 $0x800;
	s20 =	simm.s32 $0xC00  }
0x8: {  	s21 =	simm.s32 $0x80;
	s22 =	simm.s32 $0x5000;
	s23 =	simm.s32 $0x0  }
0x9: {  	s11 =	smul.u32 $0x14000, s3;
	s12 =	sand.u32 $0x1, s7;
	[smem:$0x7FF] =	sst s6  }
0xa: {  	s7 =	sadd.s32 $0x1200, s10;
	s8 =	sadd.s32 $0xC200, s10;
	s14 =	smul.u32 $0x50000, s3  }
0xb: {  	s9 =	sadd.s32 $0x17A00, s10;
	s16 =	sshll.u32 s3, $0x6;
	s13 =	smul.u32 $0x140000, s12  }
0xc: {  	_ =	strace $0x8000004A;
	s31 =	ssub.s32 $0x2, s12;
	s12 =	sshll.u32 s12, $0x4  }
0xd: {  	s16 =	sor.u32 $0x1C01, s16;
	s15 =	sshrl.u32 s31, $0x1;
	s14 =	sshrl.u32 s14, $0x2  }
0xe: {  	s12 =	sor.u32 s3, s12;
	s13 =	sadd.s32 s11, s13;
	s11 =	sshrl.u32 s11, $0x3  }
0xf: {  	s15 =	ssub.s32 s31, s15;
	s17 =	sadd.s32 s14, s5;
	s14 =	simm.s32 $0x1000  }
0x10: {  	s13 =	sshrl.u32 s13, $0x3;
	s11 =	sadd.s32 s11, s10;
	s17 =	sshrl.u32 s17, $0x3  }
0x11: {  	s13 =	sadd.s32 s13, s10;
	s10 =	sadd.s32 $0x57A00, s11;
	s11 =	smul.u32 $0x2C00, s12  }
0x12: {  	s12 =	sadd.s32 $0x7FA00, s13;
	s13 =	smax.u32 s15, $0x1;
	s15 =	simm.s32 $0x1  }
.LBB2_1:
0x13: {  	[tilespmem:s14], [sflag:$0x1] =	stream.linear.gather [hbm4b:s4+s6], $0x4000, $0x38;
	[tilespmem:$0x1D000] =	vst v63  }
0x14: {  	_ =	swait.ge [sflag:s15], $0x4000  }
0x15: {  	[sflag:s15] =	ssyncset.done $0x0  }
0x16: {  	[sflag:s15] =	ssyncadd.s32 $0xFFFFC000  }
0x17: {  	[spmem:s17], [sflag:s16] =	dma.local [hbm:s10], $0x2800  }
0x18: {  	_ =	swait.ge [sflag:s15], $0x2800  }
0x19: {  	[sflag:s15] =	ssyncset.done $0x0  }
0x1a: {  	[sflag:s15] =	ssyncadd.s32 $0xFFFFD800  }
0x1b: {  	s24 =	simm.s32 $0x0;
	[bflag:$0x0] =	sbarrier.arrive $0xFFFF  }
.LBB2_2:
0x1c: {  	s25 =	sshll.u32 s24, $0xA  }
0x1d: {  	s25 =	sadd.s32 s11, s25  }
0x1e: {  	s26 =	sshrl.u32 s25, $0x3  }
0x1f: {  	s25 =	simm.s32 $0x0;
	s28 =	sadd.s32 s1, s26  }
0x20: {  	[tilespmem:s25], [sflag:$0x1] =	stream.linear.gather [hbm4b:s28+s25], $0x400, $0x38;
	[tilespmem:$0x1D000] =	vst v63  }
0x21: {  	_ =	swait.ge [sflag:s15], $0x400  }
0x22: {  	[sflag:s15] =	ssyncset.done $0x0  }
0x23: {  	s28 =	sadd.s32 s2, s26;
	[sflag:s15] =	ssyncadd.s32 $0xFFFFFC00  }
0x24: {  	[tilespmem:s18], [sflag:$0x1] =	stream.linear.gather [hbm4b:s28+s25], $0x400, $0x38;
	[tilespmem:$0x1D000] =	vst v63  }
0x25: {  	_ =	swait.ge [sflag:s15], $0x400  }
0x26: {  	[sflag:s15] =	ssyncset.done $0x0  }
0x27: {  	s28 =	sadd.s32 s7, s26;
	[sflag:s15] =	ssyncadd.s32 $0xFFFFFC00  }
0x28: {  	[tilespmem:s19], [sflag:$0x1] =	stream.linear.gather [hbm4b:s28+s25], $0x400, $0x38;
	[tilespmem:$0x1D000] =	vst v63  }
0x29: {  	_ =	swait.ge [sflag:s15], $0x400  }
0x2a: {  	[sflag:s15] =	ssyncset.done $0x0  }
0x2b: {  	s26 =	sadd.s32 s8, s26;
	[sflag:s15] =	ssyncadd.s32 $0xFFFFFC00  }
0x2c: {  	[tilespmem:s20], [sflag:$0x1] =	stream.linear.gather [hbm4b:s26+s25], $0x400, $0x38;
	[tilespmem:$0x1D000] =	vst v63  }
0x2d: {  	_ =	swait.ge [sflag:s15], $0x400  }
0x2e: {  	[sflag:s15] =	ssyncset.done $0x0  }
0x2f: {  	s26 =	simm.s32 $0x0;
	[sflag:s15] =	ssyncadd.s32 $0xFFFFFC00  }
0x30: {  	v0 =	vld [tilespmem:s26+$0x800]  }
0x31: {  	v2 =	vld [tilespmem:s26+$0x0];
	_ =	sdelay $0x5  }
0x32: {  	v1 =	vld [tilespmem:s26+$0xC00]  }
0x33: {  	v0 =	vld.idx.msk [tilespmem:v0+s14+$0x0], $0xffff  }
0x34: {  	s29 =	simm.s32 $0x80;
	s28 =	simm.s32 $0x10;
	v2 =	vld.idx.msk [tilespmem:v2+s14+$0x0], $0xffff  }
.LBB2_3:
0x35: {  	p0 =	sne.s32 s29, $0xFC0;
	v3 =	vld [tilespmem:s28+$0x800];
	_ =	sdelay $0x1  }
0x36: {  	v4 =	vld [tilespmem:s28+$0x0]  }
0x37: {  	v0 =	vmul.f32 v1, v0;
	_ =	sdelay $0x1  }
0x38: {  	v0 =	vmul.f32 v0, v2  }
.Ltmp0:
0x39: {  	(pc) =	sbr.rel @p0 .LBB2_3-.Ltmp0, $4  }
0x3a: {  	[tilespmem:s26+$0xC00] =	vst v0;
	s26 =	smov.u32 s28  }
0x3b: {  	v0 =	vld.idx.msk [tilespmem:v3+s14+$0x0], $0xffff  }
0x3c: {  	v1 =	vld [tilespmem:s26+$0xC00]  }
0x3d: {  	s28 =	sshra.s32 s29, $0x2;
	s29 =	sadd.s32 $0x40, s29;
	v2 =	vld.idx.msk [tilespmem:v4+s14+$0x0], $0xffff  }
0x3e: {  	v3 =	vld [tilespmem:s28+$0x800];
	_ =	sdelay $0x2  }
0x3f: {  	v4 =	vld [tilespmem:s28+$0x0];
	v0 =	vmul.f32 v1, v0;
	_ =	sdelay $0x1  }
0x40: {  	v0 =	vmul.f32 v0, v2;
	_ =	sdelay $0x1  }
0x41: {  	[tilespmem:s26+$0xC00] =	vst v0  }
0x42: {  	v0 =	vld.idx.msk [tilespmem:v3+s14+$0x0], $0xffff  }
0x43: {  	v62 =	vld [tilespmem:s28+$0xC00];
	_ =	sdelay $0x1  }
0x44: {  	v63 =	vld.idx.msk [tilespmem:v4+s14+$0x0], $0xffff;
	_ =	sdelay $0x2  }
0x45: {  	v0 =	vmul.f32 v62, v0;
	_ =	sdelay $0x1  }
0x46: {  	v0 =	vmul.f32 v0, v63;
	_ =	sdelay $0x1  }
0x47: {  	s26 =	simm.s32 $0x0;
	[tilespmem:s28+$0xC00] =	vst v0  }
.LBB2_5:
0x48: {  	s28 =	sshll.u32 s26, $0x7  }
0x49: {  	s29 =	sand.u32 $0x3FFFFF80, s28  }
0x4a: {  	[tilespmem:s22], [sflag:$0x1] =	stream.indirect.gather [hbm4b:s9+s21], $0x80, s29, s21, $0xb8;
	[tilespmem:$0x1D000] =	vst v63  }
0x4b: {  	s29 =	sadd.s32 $0x0, s25;
	_ =	swait.ge [sflag:s15], $0x4000  }
0x4c: {  	v0 =	vmov s29;
	[sflag:s15] =	ssyncset.done $0x0  }
0x4d: {  	s29 =	simm.s32 $0x5040;
	[sflag:s15] =	ssyncadd.s32 $0xFFFFC000  }
0x4e: {  	v4 =	vld [tilespmem:s29+$0x30]  }
0x4f: {  	v7 =	vld [tilespmem:s29+$0x10]  }
0x50: {  	v5 =	vld [tilespmem:s29+$0xFFFFFFC0]  }
0x51: {  	v1 =	vld.idx.msk [tilespmem:v0+s20+$0x0], $0xffff  }
0x52: {  	v9 =	vld [tilespmem:s29+$0xFFFFFFE0]  }
0x53: {  	v2 =	vld [tilespmem:s29+$0x20]  }
0x54: {  	v3 =	vld [tilespmem:s29+$0xFFFFFFD0]  }
0x55: {  	v0 =	vld [tilespmem:s29+$0xFFFFFFF0]  }
0x56: {  	v8 =	vmul.f32 v4, v1;
	v4 =	vld [tilespmem:s29+$0x0]  }
0x57: {  	v6 =	vmul.f32 v5, v1  }
0x58: {  	s30 =	simm.s32 $0x1;
	s31 =	simm.s32 $0x5040;
	v5 =	vmul.f32 v9, v1;
	v7 =	vmul.f32 v7, v1  }
.LBB2_6:
0x59: {  	p0 =	sne.s32 s30, $0x7F  }
0x5a: {  	v3 =	vmul.f32 v3, v1;
	v2 =	vmul.f32 v2, v1;
	[tilespmem:s29+$0x30] =	vst v8;
	s31 =	sadd.s32 $0x80, s31;
	s0 =	smov.u32 s30;
	s30 =	sadd.s32 $0x1, s30  }
0x5b: {  	[tilespmem:s29+$0xFFFFFFC0] =	vst v6;
	v6 =	vmul.f32 v0, v1;
	v1 =	vmul.f32 v4, v1  }
0x5c: {  	s0 =	sadd.s32 s0, s25;
	[tilespmem:s29+$0x10] =	vst v7  }
0x5d: {  	v4 =	vmov s0;
	[tilespmem:s29+$0xFFFFFFE0] =	vst v5  }
0x5e: {  	v0 =	vld [tilespmem:s31+$0xFFFFFFF0];
	[tilespmem:s29+$0xFFFFFFF0] =	vst v6  }
0x5f: {  	v5 =	vld [tilespmem:s31+$0x30];
	[tilespmem:s29+$0x0] =	vst v1  }
0x60: {  	v7 =	vld [tilespmem:s31+$0x10];
	[tilespmem:s29+$0x20] =	vst v2  }
0x61: {  	v6 =	vld [tilespmem:s31+$0xFFFFFFC0];
	[tilespmem:s29+$0xFFFFFFD0] =	vst v3;
	s29 =	smov.u32 s31  }
0x62: {  	v1 =	vld.idx.msk [tilespmem:v4+s20+$0x0], $0xffff  }
0x63: {  	v9 =	vld [tilespmem:s31+$0xFFFFFFE0]  }
0x64: {  	v2 =	vld [tilespmem:s31+$0x20]  }
.Ltmp1:
0x65: {  	v3 =	vld [tilespmem:s31+$0xFFFFFFD0];
	(pc) =	sbr.rel @p0 .LBB2_6-.Ltmp1, $3  }
0x66: {  	v4 =	vld [tilespmem:s31+$0x0];
	_ =	sdelay $0x1  }
0x67: {  	v6 =	vmul.f32 v6, v1;
	v8 =	vmul.f32 v5, v1  }
0x68: {  	v7 =	vmul.f32 v7, v1;
	v5 =	vmul.f32 v9, v1  }
0x69: {  	[tilespmem:s29+$0x30] =	vst v8  }
0x6a: {  	[tilespmem:s29+$0xFFFFFFC0] =	vst v6  }
0x6b: {  	v0 =	vmul.f32 v0, v1;
	[tilespmem:s29+$0x10] =	vst v7  }
0x6c: {  	v2 =	vmul.f32 v2, v1;
	[tilespmem:s29+$0xFFFFFFE0] =	vst v5  }
0x6d: {  	v63 =	vmul.f32 v3, v1;
	[tilespmem:s29+$0xFFFFFFF0] =	vst v0  }
0x6e: {  	s26 =	sadd.s32 $0x1, s26;
	v4 =	vmul.f32 v4, v1;
	[tilespmem:s29+$0x20] =	vst v2  }
0x6f: {  	p0 =	sne.s32 s26, $0x8;
	[tilespmem:s29+$0xFFFFFFD0] =	vst v63  }
.Ltmp2:
0x70: {  	s0 =	sadd.s32 $0x400, s28;
	[tilespmem:s29+$0x0] =	vst v4;
	(pc) =	sbr.rel @p0 .LBB2_5-.Ltmp2, $4  }
0x71: {  	[spmem:s5] =	stream.indirect.scatter.add.f32 [tilespmem:s22], [sflag:$0x1], $0x80, s0, s21, $0xb8;
	[tilespmem:$0x1D000] =	vst v63  }
0x72: {  	_ =	swait.ge [sflag:s15], $0x4000  }
0x73: {  	[sflag:s15] =	ssyncset.done $0x0  }
0x74: {  	s25 =	sadd.s32 $0x80, s25;
	[sflag:s15] =	ssyncadd.s32 $0xFFFFC000  }
0x75: {  	s24 =	sadd.s32 $0x1, s24  }
0x76: {  	p0 =	sne.s32 s24, $0xB  }
.Ltmp3:
0x77: {  	_ = 	snop;
	(pc) =	sbr.rel @p0 .LBB2_2-.Ltmp3, $1  }
0x78: {  	_ =	sdelay $0x3  }
0x79: {  	s23 =	sadd.s32 $0x1, s23  }
0x7a: {  	p0 =	sne.s32 s23, s13  }
.Ltmp4:
0x7b: {  	[bflag:$0x0] =	sbarrier.arrive $0xFFFF;
	(pc) =	sbr.rel @p0 .LBB2_1-.Ltmp4, $4  }
0x7c: {  	[hbm:s12], [sflag:s16] =	dma.local [spmem:s17], $0x2800  }
0x7d: {  	_ =	swait.ge [sflag:s15], $0x2800  }
0x7e: {  	[sflag:s15] =	ssyncset.done $0x0  }
0x7f: {  	[sflag:s15] =	ssyncadd.s32 $0xFFFFD800  }
0x80: {  	_ =	sfence.sel $0x180000  }
0x81: {  	[bflag:$0x0] =	sbarrier.arrive $0xFFFF  }
0x82: {  	_ =	strace $0x9000004A  }
0x83: {  	[bflag:$0x2] =	sbarrier.arrive $0xFFFF  }
0x84: {  	p0 =	sne.s32 s3, $0x0;
	s0 =	rddreg [dreg:$0x5]  }
0x85: {  	s0 =	sadd.s32 @!p0 $0x100000, s0  }
0x86: {  	[sflag:s0] =	ssyncadd.tile.s32 @!p0 $0x1;
	_ =	shalt  }
.Lfunc_end2:
_tile_overlayer_lowered:
.L_overlay_start_2:
0x87: {  	(tag) =	ssettag $0x2  }
0x88: {  	s0 =	rddreg [dreg:$0x0];
	s2 =	stileid.u32  }
0x89: {  	s1 =	rddreg [dreg:$0x1];
	p0 =	sne.s32 s2, $0x0  }
0x8a: {  	s3 =	rddreg [dreg:$0x2];
	[bflag:$0x3] =	sbarrier.arrive $0xFFFF;
	s2 =	simm.s32 @!p0 $0x1C01  }
0x8b: {  	[timem:s3], [sflag:s2] =	dma.local @!p0 [hbm:s0], s1  }
0x8c: {  	s0 =	simm.s32 @!p0 $0x1  }
0x8d: {  	_ =	swait.ge @!p0 [sflag:s0], s1  }
0x8e: {  	s1 =	ssub.s32 @!p0 $0x0, s1;
	[sflag:s0] =	ssyncset.done @!p0 $0x0  }
0x8f: {  	[sflag:s0] =	ssyncadd.s32 @!p0 s1  }
0x90: {  	[bflag:$0x3] =	sbarrier.arrive $0xFFFF  }
0x91: {  	_ =	shalt  }

// kernel: kernel.7.cloned.1.call-start
scs
__scs_entry_jumppad:
0x0: {  	(pc) =	sbr.rel $0x88, $3  }
0x1: {  	(tag) =	ssettag $0x0;
	lr =	simm.s32 $0x1  }
0x2: {  	[smem:$0x3F99] =	sst lr;
	_ =	strace $0xD0000000  }
0x3: {  	_ = 	snop  }
0x4: {  	_ = 	snop  }
0x5: {  	_ = 	snop  }
0x6: {  	_ = 	snop  }
0x7: {  	_ = 	snop  }
__scs_overlays_trampoline_lowered:
0x8: {  	[smem:$0x3FA8] =	sst s0  }
0x9: {  	[smem:$0x3FA9] =	sst s1  }
0xa: {  	[smem:$0x3FAA] =	sst s2  }
0xb: {  	[smem:$0x3FAB] =	sst s3  }
0xc: {  	[smem:$0x3FAC] =	sst s4  }
0xd: {  	[smem:$0x3FAD] =	sst s5  }
0xe: {  	[smem:$0x3FAE] =	sst s6  }
0xf: {  	[smem:$0x3FAF] =	sst s7  }
0x10: {  	[smem:$0x3FB0] =	sst s8  }
0x11: {  	[smem:$0x3FB1] =	sst s9;
	s0 =	simm.s32 @!p0 $0x0  }
0x12: {  	s1 =	sld [smem:$0x3F97];
	s0 =	simm.s32 @p0 $0x1  }
0x13: {  	[smem:$0x3FB2] =	sst s0;
	s0 =	simm.s32 @!p1 $0x0  }
0x14: {  	s2 =	sld [smem:$0x3F96];
	s0 =	simm.s32 @p1 $0x1  }
0x15: {  	[smem:$0x3FB3] =	sst s0;
	s0 =	simm.s32 @!p2 $0x0  }
0x16: {  	s3 =	sld [smem:$0x3FDB];
	s0 =	simm.s32 @p2 $0x1  }
0x17: {  	s4 =	simm.s32 $0x1BF5;
	[smem:$0x3FB5] =	sst s0  }
0x18: {  	s0 =	sld [smem:$0x3F98];
	_ =	swait.ge [sflag:s4], $0x0  }
0x19: {  	s7 =	sld [smem:$0x3F99]  }
0x1a: {  	s8 =	sadd.s32 $0xFFFFE003, lr  }
0x1b: {  	s9 =	sadd.s32 $0xFFFFFEF7, lr;
	s5 =	simm.s32 $0xFFFFFFFF;
	p2 =	slt.u32 s8, $0xFFFFF086  }
0x1c: {  	p1 =	slt.u32 s9, $0xF7A;
	s5 =	simm.s32 @!p2 $0x0  }
0x1d: {  	s5 =	simm.s32 @p1 $0x1;
	p0 =	seq.s32 s7, s2  }
0x1e: {  	s7 =	smul.u32 @!p0 $0xF7A, s2;
	p2 =	seq.s32 @!p0 s5, $0x0  }
0x1f: {  	s9 =	smul.u32 $0xF7A, s1;
	s8 =	simm.s32 @!p0 $0x1BF5;
	p2 =	por !p2, p0  }
0x20: {  	[sflag:s8] =	ssyncset.s32 @!p0 $0xFFFFF086;
	s6 =	sadd.s32 @!p0 s3, s7;
	s7 =	simm.s32 @!p0 $0x108  }
0x21: {  	s3 =	sadd.s32 s3, s9;
	s6 =	sadd.s32 @!p0 $0x88, s6;
	s7 =	simm.s32 @p2 $0x1082  }
0x22: {  	[simem:s7], [sflag:s8] =	dma.local @!p0 [hbm:s6], $0xF7A  }
0x23: {  	s9 =	sor.u32 $0xD0000000, s2;
	s6 =	simm.s32 $0x108;
	_ =	swait.ge @!p0 [sflag:s8], $0x0  }
0x24: {  	s3 =	sadd.s32 $0x88, s3;
	s6 =	simm.s32 @!p1 $0x1082;
	[sflag:s4] =	ssyncset.s32 $0xFFFFF086  }
0x25: {  	[simem:s6], [sflag:s4] =	dma.local [hbm:s3], $0xF7A  }
0x26: {  	[smem:$0x3F99] =	sst s1;
	(tag) =	ssettag s2;
	_ =	strace s9  }
0x27: {  	s1 =	sld [smem:$0x3FA9]  }
0x28: {  	s2 =	sld [smem:$0x3FAA]  }
0x29: {  	s4 =	sld [smem:$0x3FAC]  }
0x2a: {  	p0 =	seq.s32 s5, $0x0;
	s5 =	sld [smem:$0x3FAD]  }
0x2b: {  	s6 =	sld [smem:$0x3FAE]  }
0x2c: {  	s7 =	sld [smem:$0x3FAF]  }
0x2d: {  	s3 =	simm.s32 $0x108;
	s8 =	sld [smem:$0x3FB0]  }
0x2e: {  	s3 =	simm.s32 @!p0 $0x1082;
	s9 =	sld [smem:$0x3FB1]  }
0x2f: {  	lr =	sadd.s32 s0, s3;
	s0 =	sld [smem:$0x3FA8]  }
0x30: {  	s3 =	sld [smem:$0x3FAB]  }
0x31: {  	[smem:$0x3FB4] =	sst s10  }
0x32: {  	s10 =	sld [smem:$0x3FB2];
	_ =	sdelay $0x3  }
0x33: {  	p0 =	seq.s32 s10, $0x1;
	s10 =	sld [smem:$0x3FB4];
	_ =	sdelay $0x3  }
0x34: {  	[smem:$0x3FB4] =	sst s10  }
0x35: {  	s10 =	sld [smem:$0x3FB3];
	_ =	sdelay $0x3  }
0x36: {  	p1 =	seq.s32 s10, $0x1;
	s10 =	sld [smem:$0x3FB4];
	_ =	sdelay $0x3  }
0x37: {  	[smem:$0x3FB4] =	sst s10  }
0x38: {  	s10 =	sld [smem:$0x3FB5]  }
0x39: {  	_ = 	snop;
	(pc) =	sbr.ind lr, $3  }
0x3a: {  	_ = 	snop  }
0x3b: {  	_ = 	snop  }
0x3c: {  	p2 =	seq.s32 s10, $0x1;
	s10 =	sld [smem:$0x3FB4]  }
0x3d: {  	_ =	shalt  }
0x3e: {  	_ =	shalt  }
0x3f: {  	_ =	shalt  }
0x40: {  	_ =	shalt  }
0x41: {  	_ =	shalt  }
0x42: {  	_ =	shalt  }
0x43: {  	_ =	shalt  }
0x44: {  	_ =	shalt  }
0x45: {  	_ =	shalt  }
0x46: {  	_ =	shalt  }
0x47: {  	_ =	shalt  }
0x48: {  	_ =	shalt  }
0x49: {  	_ =	shalt  }
0x4a: {  	_ =	shalt  }
0x4b: {  	_ =	shalt  }
0x4c: {  	_ =	shalt  }
0x4d: {  	_ =	shalt  }
0x4e: {  	_ =	shalt  }
0x4f: {  	_ =	shalt  }
0x50: {  	_ =	shalt  }
0x51: {  	_ =	shalt  }
0x52: {  	_ =	shalt  }
0x53: {  	_ =	shalt  }
0x54: {  	_ =	shalt  }
0x55: {  	_ =	shalt  }
0x56: {  	_ =	shalt  }
0x57: {  	_ =	shalt  }
0x58: {  	_ =	shalt  }
0x59: {  	_ =	shalt  }
0x5a: {  	_ =	shalt  }
0x5b: {  	_ =	shalt  }
0x5c: {  	_ =	shalt  }
0x5d: {  	_ =	shalt  }
0x5e: {  	_ =	shalt  }
0x5f: {  	_ =	shalt  }
0x60: {  	_ =	shalt  }
0x61: {  	_ =	shalt  }
0x62: {  	_ =	shalt  }
0x63: {  	_ =	shalt  }
0x64: {  	_ =	shalt  }
0x65: {  	_ =	shalt  }
0x66: {  	_ =	shalt  }
0x67: {  	_ =	shalt  }
0x68: {  	_ =	shalt  }
0x69: {  	_ =	shalt  }
0x6a: {  	_ =	shalt  }
0x6b: {  	_ =	shalt  }
0x6c: {  	_ =	shalt  }
0x6d: {  	_ =	shalt  }
0x6e: {  	_ =	shalt  }
0x6f: {  	_ =	shalt  }
0x70: {  	_ =	shalt  }
0x71: {  	_ =	shalt  }
0x72: {  	_ =	shalt  }
0x73: {  	_ =	shalt  }
0x74: {  	_ =	shalt  }
0x75: {  	_ =	shalt  }
0x76: {  	_ =	shalt  }
0x77: {  	_ =	shalt  }
0x78: {  	_ =	shalt  }
0x79: {  	_ =	shalt  }
0x7a: {  	_ =	shalt  }
0x7b: {  	_ =	shalt  }
0x7c: {  	_ =	shalt  }
0x7d: {  	_ =	shalt  }
0x7e: {  	_ =	shalt  }
0x7f: {  	_ =	shalt  }
0x80: {  	_ =	shalt  }
0x81: {  	_ =	shalt  }
0x82: {  	_ =	shalt  }
0x83: {  	_ =	shalt  }
0x84: {  	_ =	shalt  }
0x85: {  	_ =	shalt  }
0x86: {  	_ =	shalt  }
0x87: {  	_ =	shalt  }
.Lfunc_end0:
.L_simem_size_0:
called_computation_lowered:
.L_overlay_start_0:
0x88: {  	s2 =	sld [smem:$0x3FD9]  }
0x89: {  	s3 =	sld [smem:$0x3FFE];
	_ =	sdelay $0x1  }
0x8a: {  	s1 =	srdreg.scid  }
0x8b: {  	s0 =	sand.u32 $0x1, s1  }
0x8c: {  	s14 =	sshll.u32 s0, $0xA;
	s2 =	sadd.s32 s3, s2  }
0x8d: {  	s2 =	sadd.s32 s2, s14  }
0x8e: {  	[smem:$0x3FC0] =	sst s2  }
0x8f: {  	_ = 	snop  }
0x90: {  	s2 =	sld [smem:$0x3FD0];
	_ =	sdelay $0x2  }
0x91: {  	s15 =	simm.s32 $0xA;
	s4 =	simm.s32 $0x10  }
0x92: {  	[smem:s4], [sflag:s15] =	dma.local [hbm:s2], $0x1  }
0x93: {  	_ =	swait.eq [sflag:s15], $0x1  }
0x94: {  	[sflag:s15] =	ssyncset.done $0x0  }
0x95: {  	[sflag:s15] =	ssyncadd.s32 $0xFFFFFFFF  }
0x96: {  	s16 =	sld [smem:$0x12];
	(tm) =	ssettm $0x1  }
0x97: {  	s17 =	sld [smem:$0x3FFB];
	_ =	sdelay $0x3  }
0x98: {  	_ =	strace s17  }
0x99: {  	s3 =	sld [smem:$0x3FFC];
	_ =	sdelay $0x3  }
0x9a: {  	_ =	strace s3  }
0x9b: {  	s3 =	sld [smem:$0x3FFD];
	_ =	sdelay $0x3  }
0x9c: {  	_ =	strace s3  }
0x9d: {  	_ =	strace $0x8FFFFFFF  }
0x9e: {  	s18 =	sld [smem:$0x3FDB];
	_ =	sdelay $0x1  }
0x9f: {  	s19 =	simm.s32 $_scs_section_size  }
0xa0: {  	s5 =	simm.s32 $_size__tile_overlayer_lowered;
	s6 =	simm.s32 $_tile_overlayer_lowered  }
0xa1: {  	s22 =	simm.s32 $0x1BFF;
	s21 =	sshll.u32 s6, $0x1;
	s3 =	sadd.s32 s19, s18  }
0xa2: {  	s7 =	simm.s32 $0x0;
	s20 =	sshll.u32 s5, $0x1;
	s5 =	sadd.s32 s21, s3  }
0xa3: {  	[timem:s7], [sflag:s22] =	dma.local [hbm:s5], s20  }
0xa4: {  	_ =	swait.ge [sflag:s22], s20  }
0xa5: {  	s4 =	ssub.s32 $0x0, s20;
	[sflag:s22] =	ssyncset.done $0x0  }
0xa6: {  	[sflag:s22] =	ssyncadd.s32 s4;
	_ =	sdelay $0x1  }
0xa7: {  	s23 =	simm.s32 $0x1B8B  }
0xa8: {  	_ =	swait.ge [sflag:s23], $0x1  }
0xa9: {  	[sflag:s23] =	ssyncset.done $0x0  }
0xaa: {  	s25 =	simm.s32 $0x1B8E;
	s24 =	sld [smem:$0x3FFE];
	[sflag:s23] =	ssyncadd.s32 $0xFFFFFFFF  }
0xab: {  	s26 =	simm.s32 $execute0_lowered;
	[smem:$0x3FD2] =	sst s25  }
0xac: {  	s5 =	sshll.u32 s26, $0x1;
	_ =	strace $0x80000046;
	[dreg:$0x1] =	wrdreg $0xFFFFFFFF  }
0xad: {  	s28 =	simm.s32 $_size_execute0_lowered;
	s3 =	sadd.s32 s3, s5;
	[dreg:$0x0] =	wrdreg $0x0  }
0xae: {  	s5 =	sshll.u32 s28, $0x1;
	[dreg:$0x2] =	wrdreg s3  }
0xaf: {  	[dreg:$0x3] =	wrdreg s5  }
0xb0: {  	[dreg:$0x4] =	wrdreg $0xC0  }
0xb1: {  	_ =	task [dreg:s7], $0x5FFFF  }
0xb2: {  	[dreg:$0x1] =	wrdreg $0xFFFFFFFF  }
0xb3: {  	[dreg:$0x0] =	wrdreg $0x60  }
0xb4: {  	[dreg:$0x2] =	wrdreg s24  }
0xb5: {  	[dreg:$0x3] =	wrdreg s16  }
0xb6: {  	[dreg:$0x4] =	wrdreg $0x58000  }
0xb7: {  	[dreg:$0x5] =	wrdreg $0x9  }
0xb8: {  	_ =	task.clear_ibuf [dreg:s7], $0x6FFFF;
	_ =	strace $0x90000046  }
0xb9: {  	s29 =	simm.s32 $0x9;
	_ =	strace $0x80000048  }
0xba: {  	_ =	swait.ge [sflag:s29], $0x1  }
0xbb: {  	[sflag:s29] =	ssyncadd.s32 $0xFFFFFFFF  }
0xbc: {  	_ =	strace $0x90000048  }
0xbd: {  	_ =	sfence  }
0xbe: {  	s30 =	sld [smem:$0x0];
	_ =	sdelay $0x2  }
0xbf: {  	s31 =	sshll.u32 s1, $0xD;
	s1 =	sshrl.u32 s1, $0x2  }
0xc0: {  	s3 =	sand.u32 $0x4000, s31;
	s1 =	sadd.s32 s1, s30  }
0xc1: {  	s0 =	sor.u32 s3, s0;
	s1 =	sshll.u32 s1, $0x11  }
0xc2: {  	s0 =	sor.u32 s1, s0  }
0xc3: {  	s0 =	sadd.s32 $0x8F2B, s0  }
0xc4: {  	[sflag:s0] =	ssyncadd.remote.s32 $0x1  }
0xc5: {  	_ =	sfence.sel $0xFFFF  }
0xc6: {  	[dreg:$0x0] =	wrdreg $0xFFFFFFFF;
	(pc) =	sbr.abs _section_cstart, $3  }
0xc7: {  	[dreg:$0x1] =	wrdreg $0xFFFFFFFF  }
0xc8: {  	_ =	task.clear_ibuf [dreg:s7], $0x2FFFF;
	_ =	strace $0x9FFFFFFF  }
0xc9: {  	(tm) =	ssettm $0x7FFFFFFF  }
tec
execute0_lowered:
.L_overlay_start_1:
0x0: {  	(tag) =	ssettag $0x1  }
0x1: {  	s4 =	rddreg [dreg:$0x0]  }
0x2: {  	s0 =	srdreg.scid;
	s7 =	rddreg [dreg:$0x1]  }
0x3: {  	s2 =	rddreg [dreg:$0x2];
	s1 =	stileid.u32;
	s3 =	simm.s32 $0x0  }
0x4: {  	s13 =	simm.s32 $0x80;
	s5 =	sand.u32 $0x1, s0;
	s0 =	rddreg [dreg:$0x3]  }
0x5: {  	s14 =	simm.s32 $0x0;
	[smem:$0x7FF] =	sst s3;
	s8 =	sshll.u32 s1, $0x7  }
0x6: {  	s10 =	sshll.u32 s1, $0xA;
	s31 =	sshll.u32 s1, $0x6;
	s6 =	sshll.u32 s5, $0x4  }
0x7: {  	_ =	strace $0x80000047;
	s9 =	ssub.s32 $0x2, s5;
	s8 =	sadd.s32 s8, s4  }
0x8: {  	s11 =	sshll.u32 s5, $0xE;
	s12 =	sadd.s32 s10, s2;
	s6 =	sor.u32 s1, s6  }
0x9: {  	s29 =	sshrl.u32 s9, $0x1;
	s11 =	sor.u32 s10, s11;
	s6 =	smul.u32 $0x580, s6  }
0xa: {  	s10 =	simm.s32 $0x2C00;
	s12 =	sshrl.u32 s12, $0x3;
	s9 =	ssub.s32 s9, s29  }
0xb: {  	s30 =	sshrl.u32 s11, $0x3;
	s11 =	sor.u32 $0x1C01, s31;
	s6 =	sadd.s32 s6, s4  }
0xc: {  	s7 =	sadd.s32 s7, s30;
	s4 =	sadd.s32 $0x1200, s6;
	s5 =	sadd.s32 $0xC200, s6  }
0xd: {  	s6 =	sadd.s32 $0x17200, s8;
	s8 =	smax.u32 s9, $0x1;
	s9 =	simm.s32 $0x1  }
.LBB2_1:
0xe: {  	[tilespmem:s3], [sflag:$0x1] =	stream.linear.gather [hbm4b:s4+s3], $0x2C00, $0x38;
	[tilespmem:$0x5C00] =	vst v63  }
0xf: {  	_ =	swait.ge [sflag:s9], $0x2C00  }
0x10: {  	[sflag:s9] =	ssyncset.done $0x0  }
0x11: {  	[sflag:s9] =	ssyncadd.s32 $0xFFFFD400  }
0x12: {  	[tilespmem:s10], [sflag:$0x1] =	stream.linear.gather [hbm4b:s5+s3], $0x2C00, $0x38;
	[tilespmem:$0x5C00] =	vst v63  }
0x13: {  	_ =	swait.ge [sflag:s9], $0x2C00  }
0x14: {  	[sflag:s9] =	ssyncset.done $0x0  }
0x15: {  	[sflag:s9] =	ssyncadd.s32 $0xFFFFD400  }
0x16: {  	[spmem:s12], [sflag:s11] =	dma.local [hbm:s6], $0x80  }
0x17: {  	_ =	swait.ge [sflag:s9], $0x80  }
0x18: {  	[sflag:s9] =	ssyncset.done $0x0  }
0x19: {  	[sflag:s9] =	ssyncadd.s32 $0xFFFFFF80  }
0x1a: {  	s15 =	simm.s32 $0x0;
	s16 =	simm.s32 $0x2C00;
	[bflag:$0x0] =	sbarrier.arrive $0xFFFF  }
0x1b: {  	[spmem:s2] =	stream.indirect.scatter.add.f32 [tilespmem:s16], [sflag:$0x1], $0x1, s15, s13, $0xb8;
	[tilespmem:$0x5C00] =	vst v63  }
0x1c: {  	s15 =	simm.s32 $0x200;
	_ =	swait.ge [sflag:s9], $0x80  }
.LBB2_2:
0x1d: {  	s16 =	sshra.s32 s15, $0x2;
	[sflag:s9] =	ssyncset.done $0x0;
	p0 =	sne.s32 s15, $0xAE00  }
.Ltmp0:
0x1e: {  	s17 =	sadd.s32 $0x2C00, s16;
	[sflag:s9] =	ssyncadd.s32 $0xFFFFFF80;
	(pc) =	sbr.rel @p0 .LBB2_2-.Ltmp0, $3  }
0x1f: {  	[spmem:s2] =	stream.indirect.scatter.add.f32 [tilespmem:s17], [sflag:$0x1], $0x1, s16, s13, $0xb8;
	[tilespmem:$0x5C00] =	vst v63  }
0x20: {  	s15 =	sadd.s32 $0x200, s15;
	_ =	sdelay $0x1  }
0x21: {  	_ =	swait.ge [sflag:s9], $0x80  }
0x22: {  	[sflag:s9] =	ssyncset.done $0x0;
	s14 =	sadd.s32 $0x1, s14  }
0x23: {  	[sflag:s9] =	ssyncadd.s32 $0xFFFFFF80;
	p0 =	sne.s32 s14, s8  }
.Ltmp1:
0x24: {  	[bflag:$0x0] =	sbarrier.arrive $0xFFFF;
	(pc) =	sbr.rel @p0 .LBB2_1-.Ltmp1, $4  }
0x25: {  	[hbm:s7], [sflag:s11] =	dma.local [spmem:s12], $0x80  }
0x26: {  	_ =	swait.ge [sflag:s9], $0x80  }
0x27: {  	[sflag:s9] =	ssyncset.done $0x0  }
0x28: {  	[sflag:s9] =	ssyncadd.s32 $0xFFFFFF80  }
0x29: {  	_ =	sfence.sel $0x180000  }
0x2a: {  	[bflag:$0x0] =	sbarrier.arrive $0xFFFF  }
0x2b: {  	p0 =	sne.s32 s1, $0x0;
	_ =	strace $0x90000047  }
0x2c: {  	s0 =	sadd.s32 @!p0 $0x100000, s0;
	[bflag:$0x2] =	sbarrier.arrive $0xFFFF  }
0x2d: {  	[sflag:s0] =	ssyncadd.tile.s32 @!p0 $0x1;
	_ =	shalt  }
.Lfunc_end2:
_tile_overlayer_lowered:
.L_overlay_start_2:
0x2e: {  	(tag) =	ssettag $0x2  }
0x2f: {  	s0 =	rddreg [dreg:$0x0];
	s2 =	stileid.u32  }
0x30: {  	s1 =	rddreg [dreg:$0x1];
	p0 =	sne.s32 s2, $0x0  }
0x31: {  	s3 =	rddreg [dreg:$0x2];
	[bflag:$0x3] =	sbarrier.arrive $0xFFFF;
	s2 =	simm.s32 @!p0 $0x1C01  }
0x32: {  	[timem:s3], [sflag:s2] =	dma.local @!p0 [hbm:s0], s1  }
0x33: {  	s0 =	simm.s32 @!p0 $0x1  }
0x34: {  	_ =	swait.ge @!p0 [sflag:s0], s1  }
0x35: {  	s1 =	ssub.s32 @!p0 $0x0, s1;
	[sflag:s0] =	ssyncset.done @!p0 $0x0  }
0x36: {  	[sflag:s0] =	ssyncadd.s32 @!p0 s1  }
0x37: {  	[bflag:$0x3] =	sbarrier.arrive $0xFFFF  }
0x38: {  	_ =	shalt  }

</sc_bundles>
